<compile_context>
chip_gen: v7x
topology: tpu7x:2x2x1
jax: 0.10.2.dev20260603
libtpu: 0.0.44.dev20260713+nightly
codegen_flags: <defaults>
</compile_context>

<pallas_src>
import functools

import jax
import jax.numpy as jnp
from jax import lax
from jax.experimental import pallas as pl
from jax.experimental.pallas import tpu as pltpu
from jax.experimental.pallas import tpu_sc as plsc

B = 1024
D = 64
K = 1000000
BK = 1024
NK = -(-K // BK)
NG = BK // 8
TAIL_G = (K - (NK - 1) * BK) // 8


def _argminmax_body(xt_ref, fqt_ref, rqt_ref, posi_ref, negi_ref, rq128_ref,
                    maxv, maxg, minv, ming):
    k = pl.program_id(0)

    @pl.when(k == 0)
    def _init():
        maxv[...] = jnp.full((8, B), -jnp.inf, jnp.float32)
        minv[...] = jnp.full((8, B), jnp.inf, jnp.float32)
        maxg[...] = jnp.zeros((8, B), jnp.int32)
        ming[...] = jnp.zeros((8, B), jnp.int32)

    rq128_ref[:, 0:D] = jnp.transpose(rqt_ref[...])

    logits = lax.dot_general(
        fqt_ref[...], xt_ref[...],
        dimension_numbers=(((0,), (0,)), ((), ())),
        preferred_element_type=jnp.float32,
    )

    def upd(carry, g):
        mv, gv, nv, hv = carry
        blk = logits[8 * g:8 * g + 8]
        gg = k * NG + g
        up = blk > mv
        mv = jnp.where(up, blk, mv)
        gv = jnp.where(up, gg, gv)
        dn = blk < nv
        nv = jnp.where(dn, blk, nv)
        hv = jnp.where(dn, gg, hv)
        return mv, gv, nv, hv

    carry = (maxv[...], maxg[...], minv[...], ming[...])
    for g in range(TAIL_G):
        carry = upd(carry, g)

    def rest(c):
        for g in range(TAIL_G, NG):
            c = upd(c, g)
        return c

    mv, gv, nv, hv = lax.cond(k < NK - 1, rest, lambda c: c, carry)
    maxv[...], maxg[...] = mv, gv
    minv[...], ming[...] = nv, hv

    @pl.when(k == NK - 1)
    def _fin():
        s_iota = lax.broadcasted_iota(jnp.int32, (8, B), 0)
        big = jnp.int32(2147483647)

        idx = gv * 8 + s_iota
        m = jnp.max(mv, axis=0, keepdims=True)
        cand = jnp.where(mv == m, idx, big)
        posi_ref[...] = jnp.min(cand, axis=0, keepdims=True)

        idxn = hv * 8 + s_iota
        n = jnp.min(nv, axis=0, keepdims=True)
        candn = jnp.where(nv == n, idxn, big)
        negi_ref[...] = jnp.min(candn, axis=0, keepdims=True)


def _argminmax(x, feature_queue, rep_queue):
    return pl.pallas_call(
        _argminmax_body,
        grid=(NK,),
        in_specs=[
            pl.BlockSpec((D, B), lambda k: (0, 0)),
            pl.BlockSpec((D, BK), lambda k: (0, k)),
            pl.BlockSpec((D, BK), lambda k: (0, k)),
        ],
        out_specs=[
            pl.BlockSpec((1, B), lambda k: (0, 0)),
            pl.BlockSpec((1, B), lambda k: (0, 0)),
            pl.BlockSpec((BK, 2 * D), lambda k: (k, 0)),
        ],
        out_shape=[
            jax.ShapeDtypeStruct((1, B), jnp.int32),
            jax.ShapeDtypeStruct((1, B), jnp.int32),
            jax.ShapeDtypeStruct((K, 2 * D), jnp.float32),
        ],
        scratch_shapes=[
            pltpu.VMEM((8, B), jnp.float32),
            pltpu.VMEM((8, B), jnp.int32),
            pltpu.VMEM((8, B), jnp.float32),
            pltpu.VMEM((8, B), jnp.int32),
        ],
        compiler_params=pltpu.CompilerParams(
            dimension_semantics=("arbitrary",),
        ),
    )(x.T, feature_queue.T, rep_queue.T)


def _make_sc_gather(n_idx, width):
    info = plsc.get_sparse_core_info()
    nw = info.num_cores * info.num_subcores
    b_per_w = n_idx // nw
    mesh = plsc.VectorSubcoreMesh(core_axis_name="c", subcore_axis_name="s")

    @functools.partial(
        pl.kernel,
        out_type=jax.ShapeDtypeStruct((n_idx, width), jnp.float32),
        mesh=mesh,
        scratch_types=[
            pltpu.VMEM((b_per_w,), jnp.int32),
            pltpu.VMEM((b_per_w, width), jnp.float32),
            pltpu.SemaphoreType.DMA,
        ],
    )
    def gather(table_hbm, idx_hbm, out_hbm, idx_v, rows_v, sem):
        wid = lax.axis_index("s") * info.num_cores + lax.axis_index("c")
        base = wid * b_per_w
        pltpu.sync_copy(idx_hbm.at[pl.ds(base, b_per_w)], idx_v)
        pltpu.async_copy(table_hbm.at[idx_v], rows_v, sem).wait()
        pltpu.sync_copy(rows_v, out_hbm.at[pl.ds(base, b_per_w)])

    return gather


def kernel(x, feature_queue, rep_queue):
    pos_idx, neg_idx, rq128 = _argminmax(x, feature_queue, rep_queue)
    idx = jnp.concatenate([pos_idx.reshape(B), neg_idx.reshape(B)])
    reps = _make_sc_gather(2 * B, 2 * D)(rq128, idx)[:, :D]
    return reps[:B], reps[B:]

# --- scband reference (transcript-rebuilt; emitter-appended) ---
"""Pipeline reference for scband-memory-molecular-27255862460912 (READ-ONLY COPY).

The authoritative reference and input builder live on the scoring server;
editing this copy changes nothing except your own understanding.
"""

import jax, jax.numpy as jnp
import numpy as np

B = 1024
D = 64
K = 1000000

def setup_inputs(seed: int = 0) -> dict:
    key = jax.random.key(seed)
    k1, k2, k3 = jax.random.split(key, 3)
    x = jax.random.normal(k1, (B, D), dtype=jnp.float32)
    stdv = 1.0 / np.sqrt(D / 3.0)
    feature_queue = jax.random.uniform(k2, (K, D), dtype=jnp.float32) * (2.0 * stdv) - stdv
    rep_queue = jax.random.uniform(k3, (K, D), dtype=jnp.float32) * (2.0 * stdv) - stdv
    return {"x": x, "feature_queue": feature_queue, "rep_queue": rep_queue}

def reference(x, feature_queue, rep_queue):
    # MemoryMolecular.get_similar_unsimilar_data_list (the module's effective forward)
    # logits = x @ feature_queue^T  (original torch code implies a [B, K] similarity matrix)
    logits = jnp.matmul(x, feature_queue.T)
    pos_idx = jnp.argmax(logits, axis=-1)
    neg_idx = jnp.argmax(-logits, axis=-1)
    # rep_queue(arange, idx) in the original is a (buggy) row lookup; faithful intent is a row gather
    pos_rep = jnp.take(rep_queue, pos_idx, axis=0)
    neg_rep = jnp.take(rep_queue, neg_idx, axis=0)
    return (pos_rep, neg_rep)

if __name__ == "__main__":
    import jax
    _d = setup_inputs()
    print(jax.jit(kernel)(*tuple(_d.values())))

</pallas_src>

<mosaic_0001>
#map = affine_map<(d0, d1) -> (0, 0)>
#map1 = affine_map<(d0, d1) -> (0)>
module attributes {stable_mosaic.version = 14 : i64} {
  func.func @gather(%arg0: i32, %arg1: i32, %arg2: memref<1000000x128xf32, #tpu.memory_space<hbm>>, %arg3: memref<2048xi32, #tpu.memory_space<hbm>>, %arg4: memref<2048x128xf32, #tpu.memory_space<hbm>>, %arg5: memref<64xi32, #tpu.memory_space<vmem>>, %arg6: memref<64x128xf32, #tpu.memory_space<vmem>>, %arg7: memref<!tpu.dma_semaphore, #tpu.memory_space<semaphore_mem>>) attributes {dimension_semantics = [#tpu.dimension_semantics<core_parallel>, #tpu.dimension_semantics<subcore_parallel>], iteration_bounds = array<i64: 2, 16>, scalar_prefetch = 0 : i64, scratch_operands = 3 : i64, tpu.core_type = #tpu.core_type<sc_vector_subcore>, window_params = [{transform_indices = #map}, {transform_indices = #map1}, {transform_indices = #map}]} {
    %mul3A = arith.constant 2 : i32
    %mul3A_0 = arith.muli %arg1, %mul3A : i32
    %add3A = arith.addi %mul3A_0, %arg0 : i32
    %mul3A_1 = arith.constant 64 : i32
    %mul3A_2 = arith.muli %add3A, %mul3A_1 : i32
    "tpu.region"() ({
      %run_scoped3A = tpu.sem_alloc : memref<!tpu.dma_semaphore, #tpu.memory_space<semaphore_mem>>
      %dma_start3A_7 = tpu.memref_slice %arg3[%mul3A_2] : memref<2048xi32, #tpu.memory_space<hbm>> -> memref<64xi32, #tpu.memory_space<hbm>>
      %dma_start3A_8 = tpu.memref_slice %arg3[%mul3A_2] : memref<2048xi32, #tpu.memory_space<hbm>> -> memref<64xi32, #tpu.memory_space<hbm>>
      tpu.enqueue_dma source(%dma_start3A_8 : memref<64xi32, #tpu.memory_space<hbm>>) target(%arg5 : memref<64xi32, #tpu.memory_space<vmem>>) target_semaphore(%run_scoped3A : memref<!tpu.dma_semaphore, #tpu.memory_space<semaphore_mem>>)
      %dma_wait3A_9 = tpu.memref_slice %arg3[%mul3A_2] : memref<2048xi32, #tpu.memory_space<hbm>> -> memref<64xi32, #tpu.memory_space<hbm>>
      %dma_wait3A_10 = tpu.memref_slice %arg3[%mul3A_2] : memref<2048xi32, #tpu.memory_space<hbm>> -> memref<64xi32, #tpu.memory_space<hbm>>
      tpu.wait_dma2 semaphore(%run_scoped3A : memref<!tpu.dma_semaphore, #tpu.memory_space<semaphore_mem>>) src(%dma_wait3A_10 : memref<64xi32, #tpu.memory_space<hbm>>) dst(%arg5 : memref<64xi32, #tpu.memory_space<vmem>>)
      tpu.yield
    }) : () -> ()
    %dma_start3A = arith.constant 0 : i32
    %dma_start3A_3 = arith.constant 0 : i32
    %dma_start3A_4 = tpu.memref_slice %arg2[%dma_start3A, %dma_start3A_3] : memref<1000000x128xf32, #tpu.memory_space<hbm>> -> memref<1000000x128xf32, #tpu.memory_space<hbm>>
    tpu.enqueue_indirect_dma source(%dma_start3A_4 : memref<1000000x128xf32, #tpu.memory_space<hbm>>) target(%arg6 : memref<64x128xf32, #tpu.memory_space<vmem>>) offsets(%arg5 : memref<64xi32, #tpu.memory_space<vmem>>) semaphore(%arg7 : memref<!tpu.dma_semaphore, #tpu.memory_space<semaphore_mem>>)
    %dma_wait3A = arith.constant 0 : i32
    %dma_wait3A_5 = arith.constant 0 : i32
    %dma_wait3A_6 = tpu.memref_slice %arg2[%dma_wait3A, %dma_wait3A_5] : memref<1000000x128xf32, #tpu.memory_space<hbm>> -> memref<1000000x128xf32, #tpu.memory_space<hbm>>
    tpu.wait_indirect_dma semaphore(%arg7 : memref<!tpu.dma_semaphore, #tpu.memory_space<semaphore_mem>>) src(%dma_wait3A_6 : memref<1000000x128xf32, #tpu.memory_space<hbm>>) dst(%arg6 : memref<64x128xf32, #tpu.memory_space<vmem>>)
    "tpu.region"() ({
      %run_scoped3A = tpu.sem_alloc : memref<!tpu.dma_semaphore, #tpu.memory_space<semaphore_mem>>
      %dma_start3A_7 = arith.constant 0 : i32
      %dma_start3A_8 = tpu.memref_slice %arg4[%mul3A_2, %dma_start3A_7] : memref<2048x128xf32, #tpu.memory_space<hbm>> -> memref<64x128xf32, #tpu.memory_space<hbm>>
      %dma_start3A_9 = arith.constant 0 : i32
      %dma_start3A_10 = tpu.memref_slice %arg4[%mul3A_2, %dma_start3A_9] : memref<2048x128xf32, #tpu.memory_space<hbm>> -> memref<64x128xf32, #tpu.memory_space<hbm>>
      tpu.enqueue_dma source(%arg6 : memref<64x128xf32, #tpu.memory_space<vmem>>) target(%dma_start3A_10 : memref<64x128xf32, #tpu.memory_space<hbm>>) target_semaphore(%run_scoped3A : memref<!tpu.dma_semaphore, #tpu.memory_space<semaphore_mem>>)
      %dma_wait3A_11 = arith.constant 0 : i32
      %dma_wait3A_12 = tpu.memref_slice %arg4[%mul3A_2, %dma_wait3A_11] : memref<2048x128xf32, #tpu.memory_space<hbm>> -> memref<64x128xf32, #tpu.memory_space<hbm>>
      %dma_wait3A_13 = arith.constant 0 : i32
      %dma_wait3A_14 = tpu.memref_slice %arg4[%mul3A_2, %dma_wait3A_13] : memref<2048x128xf32, #tpu.memory_space<hbm>> -> memref<64x128xf32, #tpu.memory_space<hbm>>
      tpu.wait_dma2 semaphore(%run_scoped3A : memref<!tpu.dma_semaphore, #tpu.memory_space<semaphore_mem>>) src(%arg6 : memref<64x128xf32, #tpu.memory_space<vmem>>) dst(%dma_wait3A_14 : memref<64x128xf32, #tpu.memory_space<hbm>>)
      tpu.yield
    }) : () -> ()
    return
  }
}

module attributes {stable_mosaic.version = 14 : i64} {
  func.func @_argminmax_body(%arg0: i32, %arg1: memref<64x1024xf32, #tpu.memory_space<vmem>>, %arg2: memref<64x1024xf32, #tpu.memory_space<vmem>>, %arg3: memref<64x1024xf32, #tpu.memory_space<vmem>>, %arg4: memref<1x1024xi32, #tpu.memory_space<vmem>>, %arg5: memref<1x1024xi32, #tpu.memory_space<vmem>>, %arg6: memref<1024x128xf32, #tpu.memory_space<vmem>>, %arg7: memref<8x1024xf32, #tpu.memory_space<vmem>>, %arg8: memref<8x1024xi32, #tpu.memory_space<vmem>>, %arg9: memref<8x1024xf32, #tpu.memory_space<vmem>>, %arg10: memref<8x1024xi32, #tpu.memory_space<vmem>>) attributes {dimension_semantics = [#tpu.dimension_semantics<arbitrary>], iteration_bounds = array<i64: 977>, scalar_prefetch = 0 : i64, scratch_operands = 4 : i64, tpu.core_type = #tpu.core_type<tc>, window_params = [{pipeline_mode = #tpu.pipeline_mode<synchronous>, transform_indices = @transform_0, window_bounds = array<i64: 64, 1024>}, {transform_indices = @transform_1, window_bounds = array<i64: 64, 1024>}, {transform_indices = @transform_2, window_bounds = array<i64: 64, 1024>}, {pipeline_mode = #tpu.pipeline_mode<synchronous>, transform_indices = @transform_3, window_bounds = array<i64: 1, 1024>}, {pipeline_mode = #tpu.pipeline_mode<synchronous>, transform_indices = @transform_4, window_bounds = array<i64: 1, 1024>}, {transform_indices = @transform_5, window_bounds = array<i64: 1024, 128>}]} {
    %eq3A = arith.constant 0 : i32
    %eq3A_0 = arith.cmpi eq, %arg0, %eq3A : i32
    %convert_element_type3A = arith.extui %eq3A_0 : i1 to i32
    %cond3A = arith.constant 0 : i32
    %cond3A_1 = arith.cmpi ne, %convert_element_type3A, %cond3A : i32
    scf.if %cond3A_1 {
      %broadcast_in_dim3A_977 = arith.constant 0xFF800000 : f32
      %broadcast_in_dim3A_978 = vector.broadcast %broadcast_in_dim3A_977 : f32 to vector<8x1024xf32>
      %swap3A_979 = arith.constant 0 : index
      %swap3A_980 = arith.constant 0 : index
      %swap3A_981 = vector.load %arg7[%swap3A_979, %swap3A_980] : memref<8x1024xf32, #tpu.memory_space<vmem>>, vector<8x1024xf32>
      tpu.vector_store %arg7[%swap3A_979, %swap3A_980], %broadcast_in_dim3A_978 {strides = array<i32>} : memref<8x1024xf32, #tpu.memory_space<vmem>>, vector<8x1024xf32>,
      %broadcast_in_dim3A_982 = arith.constant 0x7F800000 : f32
      %broadcast_in_dim3A_983 = vector.broadcast %broadcast_in_dim3A_982 : f32 to vector<8x1024xf32>
      %swap3A_984 = arith.constant 0 : index
      %swap3A_985 = arith.constant 0 : index
      %swap3A_986 = vector.load %arg9[%swap3A_984, %swap3A_985] : memref<8x1024xf32, #tpu.memory_space<vmem>>, vector<8x1024xf32>
      tpu.vector_store %arg9[%swap3A_984, %swap3A_985], %broadcast_in_dim3A_983 {strides = array<i32>} : memref<8x1024xf32, #tpu.memory_space<vmem>>, vector<8x1024xf32>,
      %broadcast_in_dim3A_987 = arith.constant 0 : i32
      %broadcast_in_dim3A_988 = vector.broadcast %broadcast_in_dim3A_987 : i32 to vector<8x1024xi32>
      %swap3A_989 = arith.constant 0 : index
      %swap3A_990 = arith.constant 0 : index
      %swap3A_991 = vector.load %arg8[%swap3A_989, %swap3A_990] : memref<8x1024xi32, #tpu.memory_space<vmem>>, vector<8x1024xi32>
      tpu.vector_store %arg8[%swap3A_989, %swap3A_990], %broadcast_in_dim3A_988 {strides = array<i32>} : memref<8x1024xi32, #tpu.memory_space<vmem>>, vector<8x1024xi32>,
      %broadcast_in_dim3A_992 = arith.constant 0 : i32
      %broadcast_in_dim3A_993 = vector.broadcast %broadcast_in_dim3A_992 : i32 to vector<8x1024xi32>
      %swap3A_994 = arith.constant 0 : index
      %swap3A_995 = arith.constant 0 : index
      %swap3A_996 = vector.load %arg10[%swap3A_994, %swap3A_995] : memref<8x1024xi32, #tpu.memory_space<vmem>>, vector<8x1024xi32>
      tpu.vector_store %arg10[%swap3A_994, %swap3A_995], %broadcast_in_dim3A_993 {strides = array<i32>} : memref<8x1024xi32, #tpu.memory_space<vmem>>, vector<8x1024xi32>,
    } else {
    }
    %get3A = arith.constant 0 : index
    %get3A_2 = arith.constant 0 : index
    %get3A_3 = vector.load %arg3[%get3A, %get3A_2] : memref<64x1024xf32, #tpu.memory_space<vmem>>, vector<64x1024xf32>
    %transpose3A = tpu.transpose %get3A_3, [1, 0] : vector<64x1024xf32> -> vector<1024x64xf32>
    %swap3A = arith.constant 0 : index
    %swap3A_4 = arith.constant 0 : index
    %swap3A_5 = vector.load %arg6[%swap3A, %swap3A_4] : memref<1024x128xf32, #tpu.memory_space<vmem>>, vector<1024x64xf32>
    tpu.vector_store %arg6[%swap3A, %swap3A_4], %transpose3A {strides = array<i32>} : memref<1024x128xf32, #tpu.memory_space<vmem>>, vector<1024x64xf32>,
    %get3A_6 = arith.constant 0 : index
    %get3A_7 = arith.constant 0 : index
    %get3A_8 = vector.load %arg2[%get3A_6, %get3A_7] : memref<64x1024xf32, #tpu.memory_space<vmem>>, vector<64x1024xf32>
    %get3A_9 = arith.constant 0 : index
    %get3A_10 = arith.constant 0 : index
    %get3A_11 = vector.load %arg1[%get3A_9, %get3A_10] : memref<64x1024xf32, #tpu.memory_space<vmem>>, vector<64x1024xf32>
    %dot_general3A = arith.constant dense<0.000000e+00> : vector<1024x1024xf32>
    %dot_general3A_12 = tpu.matmul %get3A_8, %get3A_11, %dot_general3A {dimension_numbers = #tpu.dot_dimension_numbers<[0], [0], [1], [1], [0, 1, 1, 1], [], []>, transpose_lhs_hint = false} : vector<64x1024xf32>, vector<64x1024xf32>, vector<1024x1024xf32> -> vector<1024x1024xf32>
    %get3A_13 = arith.constant 0 : index
    %get3A_14 = arith.constant 0 : index
    %get3A_15 = vector.load %arg7[%get3A_13, %get3A_14] : memref<8x1024xf32, #tpu.memory_space<vmem>>, vector<8x1024xf32>
    %get3A_16 = arith.constant 0 : index
    %get3A_17 = arith.constant 0 : index
    %get3A_18 = vector.load %arg8[%get3A_16, %get3A_17] : memref<8x1024xi32, #tpu.memory_space<vmem>>, vector<8x1024xi32>
    %get3A_19 = arith.constant 0 : index
    %get3A_20 = arith.constant 0 : index
    %get3A_21 = vector.load %arg9[%get3A_19, %get3A_20] : memref<8x1024xf32, #tpu.memory_space<vmem>>, vector<8x1024xf32>
    %get3A_22 = arith.constant 0 : index
    %get3A_23 = arith.constant 0 : index
    %get3A_24 = vector.load %arg10[%get3A_22, %get3A_23] : memref<8x1024xi32, #tpu.memory_space<vmem>>, vector<8x1024xi32>
    %slice3A = vector.extract_strided_slice %dot_general3A_12 {offsets = [0, 0], sizes = [8, 1024], strides = [1, 1]} : vector<1024x1024xf32> to vector<8x1024xf32>
    %mul3A = arith.constant 128 : i32
    %mul3A_25 = arith.muli %arg0, %mul3A : i32
    %add3A = arith.constant 0 : i32
    %add3A_26 = arith.addi %mul3A_25, %add3A : i32
    %gt3A = arith.cmpf ogt, %slice3A, %get3A_15 : vector<8x1024xf32>
    %select_n3A = arith.select %gt3A, %slice3A, %get3A_15 : vector<8x1024xi1>, vector<8x1024xf32>
    %broadcast_in_dim3A = vector.broadcast %add3A_26 : i32 to vector<8x1024xi32>
    %select_n3A_27 = arith.select %gt3A, %broadcast_in_dim3A, %get3A_18 : vector<8x1024xi1>, vector<8x1024xi32>
    %lt3A = arith.cmpf olt, %slice3A, %get3A_21 : vector<8x1024xf32>
    %select_n3A_28 = arith.select %lt3A, %slice3A, %get3A_21 : vector<8x1024xi1>, vector<8x1024xf32>
    %broadcast_in_dim3A_29 = vector.broadcast %add3A_26 : i32 to vector<8x1024xi32>
    %select_n3A_30 = arith.select %lt3A, %broadcast_in_dim3A_29, %get3A_24 : vector<8x1024xi1>, vector<8x1024xi32>
    %slice3A_31 = vector.extract_strided_slice %dot_general3A_12 {offsets = [8, 0], sizes = [8, 1024], strides = [1, 1]} : vector<1024x1024xf32> to vector<8x1024xf32>
    %mul3A_32 = arith.constant 128 : i32
    %mul3A_33 = arith.muli %arg0, %mul3A_32 : i32
    %add3A_34 = arith.constant 1 : i32
    %add3A_35 = arith.addi %mul3A_33, %add3A_34 : i32
    %gt3A_36 = arith.cmpf ogt, %slice3A_31, %select_n3A : vector<8x1024xf32>
    %select_n3A_37 = arith.select %gt3A_36, %slice3A_31, %select_n3A : vector<8x1024xi1>, vector<8x1024xf32>
    %broadcast_in_dim3A_38 = vector.broadcast %add3A_35 : i32 to vector<8x1024xi32>
    %select_n3A_39 = arith.select %gt3A_36, %broadcast_in_dim3A_38, %select_n3A_27 : vector<8x1024xi1>, vector<8x1024xi32>
    %lt3A_40 = arith.cmpf olt, %slice3A_31, %select_n3A_28 : vector<8x1024xf32>
    %select_n3A_41 = arith.select %lt3A_40, %slice3A_31, %select_n3A_28 : vector<8x1024xi1>, vector<8x1024xf32>
    %broadcast_in_dim3A_42 = vector.broadcast %add3A_35 : i32 to vector<8x1024xi32>
    %select_n3A_43 = arith.select %lt3A_40, %broadcast_in_dim3A_42, %select_n3A_30 : vector<8x1024xi1>, vector<8x1024xi32>
    %slice3A_44 = vector.extract_strided_slice %dot_general3A_12 {offsets = [16, 0], sizes = [8, 1024], strides = [1, 1]} : vector<1024x1024xf32> to vector<8x1024xf32>
    %mul3A_45 = arith.constant 128 : i32
    %mul3A_46 = arith.muli %arg0, %mul3A_45 : i32
    %add3A_47 = arith.constant 2 : i32
    %add3A_48 = arith.addi %mul3A_46, %add3A_47 : i32
    %gt3A_49 = arith.cmpf ogt, %slice3A_44, %select_n3A_37 : vector<8x1024xf32>
    %select_n3A_50 = arith.select %gt3A_49, %slice3A_44, %select_n3A_37 : vector<8x1024xi1>, vector<8x1024xf32>
    %broadcast_in_dim3A_51 = vector.broadcast %add3A_48 : i32 to vector<8x1024xi32>
    %select_n3A_52 = arith.select %gt3A_49, %broadcast_in_dim3A_51, %select_n3A_39 : vector<8x1024xi1>, vector<8x1024xi32>
    %lt3A_53 = arith.cmpf olt, %slice3A_44, %select_n3A_41 : vector<8x1024xf32>
    %select_n3A_54 = arith.select %lt3A_53, %slice3A_44, %select_n3A_41 : vector<8x1024xi1>, vector<8x1024xf32>
    %broadcast_in_dim3A_55 = vector.broadcast %add3A_48 : i32 to vector<8x1024xi32>
    %select_n3A_56 = arith.select %lt3A_53, %broadcast_in_dim3A_55, %select_n3A_43 : vector<8x1024xi1>, vector<8x1024xi32>
    %slice3A_57 = vector.extract_strided_slice %dot_general3A_12 {offsets = [24, 0], sizes = [8, 1024], strides = [1, 1]} : vector<1024x1024xf32> to vector<8x1024xf32>
    %mul3A_58 = arith.constant 128 : i32
    %mul3A_59 = arith.muli %arg0, %mul3A_58 : i32
    %add3A_60 = arith.constant 3 : i32
    %add3A_61 = arith.addi %mul3A_59, %add3A_60 : i32
    %gt3A_62 = arith.cmpf ogt, %slice3A_57, %select_n3A_50 : vector<8x1024xf32>
    %select_n3A_63 = arith.select %gt3A_62, %slice3A_57, %select_n3A_50 : vector<8x1024xi1>, vector<8x1024xf32>
    %broadcast_in_dim3A_64 = vector.broadcast %add3A_61 : i32 to vector<8x1024xi32>
    %select_n3A_65 = arith.select %gt3A_62, %broadcast_in_dim3A_64, %select_n3A_52 : vector<8x1024xi1>, vector<8x1024xi32>
    %lt3A_66 = arith.cmpf olt, %slice3A_57, %select_n3A_54 : vector<8x1024xf32>
    %select_n3A_67 = arith.select %lt3A_66, %slice3A_57, %select_n3A_54 : vector<8x1024xi1>, vector<8x1024xf32>
    %broadcast_in_dim3A_68 = vector.broadcast %add3A_61 : i32 to vector<8x1024xi32>
    %select_n3A_69 = arith.select %lt3A_66, %broadcast_in_dim3A_68, %select_n3A_56 : vector<8x1024xi1>, vector<8x1024xi32>
    %slice3A_70 = vector.extract_strided_slice %dot_general3A_12 {offsets = [32, 0], sizes = [8, 1024], strides = [1, 1]} : vector<1024x1024xf32> to vector<8x1024xf32>
    %mul3A_71 = arith.constant 128 : i32
    %mul3A_72 = arith.muli %arg0, %mul3A_71 : i32
    %add3A_73 = arith.constant 4 : i32
    %add3A_74 = arith.addi %mul3A_72, %add3A_73 : i32
    %gt3A_75 = arith.cmpf ogt, %slice3A_70, %select_n3A_63 : vector<8x1024xf32>
    %select_n3A_76 = arith.select %gt3A_75, %slice3A_70, %select_n3A_63 : vector<8x1024xi1>, vector<8x1024xf32>
    %broadcast_in_dim3A_77 = vector.broadcast %add3A_74 : i32 to vector<8x1024xi32>
    %select_n3A_78 = arith.select %gt3A_75, %broadcast_in_dim3A_77, %select_n3A_65 : vector<8x1024xi1>, vector<8x1024xi32>
    %lt3A_79 = arith.cmpf olt, %slice3A_70, %select_n3A_67 : vector<8x1024xf32>
    %select_n3A_80 = arith.select %lt3A_79, %slice3A_70, %select_n3A_67 : vector<8x1024xi1>, vector<8x1024xf32>
    %broadcast_in_dim3A_81 = vector.broadcast %add3A_74 : i32 to vector<8x1024xi32>
    %select_n3A_82 = arith.select %lt3A_79, %broadcast_in_dim3A_81, %select_n3A_69 : vector<8x1024xi1>, vector<8x1024xi32>
    %slice3A_83 = vector.extract_strided_slice %dot_general3A_12 {offsets = [40, 0], sizes = [8, 1024], strides = [1, 1]} : vector<1024x1024xf32> to vector<8x1024xf32>
    %mul3A_84 = arith.constant 128 : i32
    %mul3A_85 = arith.muli %arg0, %mul3A_84 : i32
    %add3A_86 = arith.constant 5 : i32
    %add3A_87 = arith.addi %mul3A_85, %add3A_86 : i32
    %gt3A_88 = arith.cmpf ogt, %slice3A_83, %select_n3A_76 : vector<8x1024xf32>
    %select_n3A_89 = arith.select %gt3A_88, %slice3A_83, %select_n3A_76 : vector<8x1024xi1>, vector<8x1024xf32>
    %broadcast_in_dim3A_90 = vector.broadcast %add3A_87 : i32 to vector<8x1024xi32>
    %select_n3A_91 = arith.select %gt3A_88, %broadcast_in_dim3A_90, %select_n3A_78 : vector<8x1024xi1>, vector<8x1024xi32>
    %lt3A_92 = arith.cmpf olt, %slice3A_83, %select_n3A_80 : vector<8x1024xf32>
    %select_n3A_93 = arith.select %lt3A_92, %slice3A_83, %select_n3A_80 : vector<8x1024xi1>, vector<8x1024xf32>
    %broadcast_in_dim3A_94 = vector.broadcast %add3A_87 : i32 to vector<8x1024xi32>
    %select_n3A_95 = arith.select %lt3A_92, %broadcast_in_dim3A_94, %select_n3A_82 : vector<8x1024xi1>, vector<8x1024xi32>
    %slice3A_96 = vector.extract_strided_slice %dot_general3A_12 {offsets = [48, 0], sizes = [8, 1024], strides = [1, 1]} : vector<1024x1024xf32> to vector<8x1024xf32>
    %mul3A_97 = arith.constant 128 : i32
    %mul3A_98 = arith.muli %arg0, %mul3A_97 : i32
    %add3A_99 = arith.constant 6 : i32
    %add3A_100 = arith.addi %mul3A_98, %add3A_99 : i32
    %gt3A_101 = arith.cmpf ogt, %slice3A_96, %select_n3A_89 : vector<8x1024xf32>
    %select_n3A_102 = arith.select %gt3A_101, %slice3A_96, %select_n3A_89 : vector<8x1024xi1>, vector<8x1024xf32>
    %broadcast_in_dim3A_103 = vector.broadcast %add3A_100 : i32 to vector<8x1024xi32>
    %select_n3A_104 = arith.select %gt3A_101, %broadcast_in_dim3A_103, %select_n3A_91 : vector<8x1024xi1>, vector<8x1024xi32>
    %lt3A_105 = arith.cmpf olt, %slice3A_96, %select_n3A_93 : vector<8x1024xf32>
    %select_n3A_106 = arith.select %lt3A_105, %slice3A_96, %select_n3A_93 : vector<8x1024xi1>, vector<8x1024xf32>
    %broadcast_in_dim3A_107 = vector.broadcast %add3A_100 : i32 to vector<8x1024xi32>
    %select_n3A_108 = arith.select %lt3A_105, %broadcast_in_dim3A_107, %select_n3A_95 : vector<8x1024xi1>, vector<8x1024xi32>
    %slice3A_109 = vector.extract_strided_slice %dot_general3A_12 {offsets = [56, 0], sizes = [8, 1024], strides = [1, 1]} : vector<1024x1024xf32> to vector<8x1024xf32>
    %mul3A_110 = arith.constant 128 : i32
    %mul3A_111 = arith.muli %arg0, %mul3A_110 : i32
    %add3A_112 = arith.constant 7 : i32
    %add3A_113 = arith.addi %mul3A_111, %add3A_112 : i32
    %gt3A_114 = arith.cmpf ogt, %slice3A_109, %select_n3A_102 : vector<8x1024xf32>
    %select_n3A_115 = arith.select %gt3A_114, %slice3A_109, %select_n3A_102 : vector<8x1024xi1>, vector<8x1024xf32>
    %broadcast_in_dim3A_116 = vector.broadcast %add3A_113 : i32 to vector<8x1024xi32>
    %select_n3A_117 = arith.select %gt3A_114, %broadcast_in_dim3A_116, %select_n3A_104 : vector<8x1024xi1>, vector<8x1024xi32>
    %lt3A_118 = arith.cmpf olt, %slice3A_109, %select_n3A_106 : vector<8x1024xf32>
    %select_n3A_119 = arith.select %lt3A_118, %slice3A_109, %select_n3A_106 : vector<8x1024xi1>, vector<8x1024xf32>
    %broadcast_in_dim3A_120 = vector.broadcast %add3A_113 : i32 to vector<8x1024xi32>
    %select_n3A_121 = arith.select %lt3A_118, %broadcast_in_dim3A_120, %select_n3A_108 : vector<8x1024xi1>, vector<8x1024xi32>
    %slice3A_122 = vector.extract_strided_slice %dot_general3A_12 {offsets = [64, 0], sizes = [8, 1024], strides = [1, 1]} : vector<1024x1024xf32> to vector<8x1024xf32>
    %mul3A_123 = arith.constant 128 : i32
    %mul3A_124 = arith.muli %arg0, %mul3A_123 : i32
    %add3A_125 = arith.constant 8 : i32
    %add3A_126 = arith.addi %mul3A_124, %add3A_125 : i32
    %gt3A_127 = arith.cmpf ogt, %slice3A_122, %select_n3A_115 : vector<8x1024xf32>
    %select_n3A_128 = arith.select %gt3A_127, %slice3A_122, %select_n3A_115 : vector<8x1024xi1>, vector<8x1024xf32>
    %broadcast_in_dim3A_129 = vector.broadcast %add3A_126 : i32 to vector<8x1024xi32>
    %select_n3A_130 = arith.select %gt3A_127, %broadcast_in_dim3A_129, %select_n3A_117 : vector<8x1024xi1>, vector<8x1024xi32>
    %lt3A_131 = arith.cmpf olt, %slice3A_122, %select_n3A_119 : vector<8x1024xf32>
    %select_n3A_132 = arith.select %lt3A_131, %slice3A_122, %select_n3A_119 : vector<8x1024xi1>, vector<8x1024xf32>
    %broadcast_in_dim3A_133 = vector.broadcast %add3A_126 : i32 to vector<8x1024xi32>
    %select_n3A_134 = arith.select %lt3A_131, %broadcast_in_dim3A_133, %select_n3A_121 : vector<8x1024xi1>, vector<8x1024xi32>
    %slice3A_135 = vector.extract_strided_slice %dot_general3A_12 {offsets = [72, 0], sizes = [8, 1024], strides = [1, 1]} : vector<1024x1024xf32> to vector<8x1024xf32>
    %mul3A_136 = arith.constant 128 : i32
    %mul3A_137 = arith.muli %arg0, %mul3A_136 : i32
    %add3A_138 = arith.constant 9 : i32
    %add3A_139 = arith.addi %mul3A_137, %add3A_138 : i32
    %gt3A_140 = arith.cmpf ogt, %slice3A_135, %select_n3A_128 : vector<8x1024xf32>
    %select_n3A_141 = arith.select %gt3A_140, %slice3A_135, %select_n3A_128 : vector<8x1024xi1>, vector<8x1024xf32>
    %broadcast_in_dim3A_142 = vector.broadcast %add3A_139 : i32 to vector<8x1024xi32>
    %select_n3A_143 = arith.select %gt3A_140, %broadcast_in_dim3A_142, %select_n3A_130 : vector<8x1024xi1>, vector<8x1024xi32>
    %lt3A_144 = arith.cmpf olt, %slice3A_135, %select_n3A_132 : vector<8x1024xf32>
    %select_n3A_145 = arith.select %lt3A_144, %slice3A_135, %select_n3A_132 : vector<8x1024xi1>, vector<8x1024xf32>
    %broadcast_in_dim3A_146 = vector.broadcast %add3A_139 : i32 to vector<8x1024xi32>
    %select_n3A_147 = arith.select %lt3A_144, %broadcast_in_dim3A_146, %select_n3A_134 : vector<8x1024xi1>, vector<8x1024xi32>
    %slice3A_148 = vector.extract_strided_slice %dot_general3A_12 {offsets = [80, 0], sizes = [8, 1024], strides = [1, 1]} : vector<1024x1024xf32> to vector<8x1024xf32>
    %mul3A_149 = arith.constant 128 : i32
    %mul3A_150 = arith.muli %arg0, %mul3A_149 : i32
    %add3A_151 = arith.constant 10 : i32
    %add3A_152 = arith.addi %mul3A_150, %add3A_151 : i32
    %gt3A_153 = arith.cmpf ogt, %slice3A_148, %select_n3A_141 : vector<8x1024xf32>
    %select_n3A_154 = arith.select %gt3A_153, %slice3A_148, %select_n3A_141 : vector<8x1024xi1>, vector<8x1024xf32>
    %broadcast_in_dim3A_155 = vector.broadcast %add3A_152 : i32 to vector<8x1024xi32>
    %select_n3A_156 = arith.select %gt3A_153, %broadcast_in_dim3A_155, %select_n3A_143 : vector<8x1024xi1>, vector<8x1024xi32>
    %lt3A_157 = arith.cmpf olt, %slice3A_148, %select_n3A_145 : vector<8x1024xf32>
    %select_n3A_158 = arith.select %lt3A_157, %slice3A_148, %select_n3A_145 : vector<8x1024xi1>, vector<8x1024xf32>
    %broadcast_in_dim3A_159 = vector.broadcast %add3A_152 : i32 to vector<8x1024xi32>
    %select_n3A_160 = arith.select %lt3A_157, %broadcast_in_dim3A_159, %select_n3A_147 : vector<8x1024xi1>, vector<8x1024xi32>
    %slice3A_161 = vector.extract_strided_slice %dot_general3A_12 {offsets = [88, 0], sizes = [8, 1024], strides = [1, 1]} : vector<1024x1024xf32> to vector<8x1024xf32>
    %mul3A_162 = arith.constant 128 : i32
    %mul3A_163 = arith.muli %arg0, %mul3A_162 : i32
    %add3A_164 = arith.constant 11 : i32
    %add3A_165 = arith.addi %mul3A_163, %add3A_164 : i32
    %gt3A_166 = arith.cmpf ogt, %slice3A_161, %select_n3A_154 : vector<8x1024xf32>
    %select_n3A_167 = arith.select %gt3A_166, %slice3A_161, %select_n3A_154 : vector<8x1024xi1>, vector<8x1024xf32>
    %broadcast_in_dim3A_168 = vector.broadcast %add3A_165 : i32 to vector<8x1024xi32>
    %select_n3A_169 = arith.select %gt3A_166, %broadcast_in_dim3A_168, %select_n3A_156 : vector<8x1024xi1>, vector<8x1024xi32>
    %lt3A_170 = arith.cmpf olt, %slice3A_161, %select_n3A_158 : vector<8x1024xf32>
    %select_n3A_171 = arith.select %lt3A_170, %slice3A_161, %select_n3A_158 : vector<8x1024xi1>, vector<8x1024xf32>
    %broadcast_in_dim3A_172 = vector.broadcast %add3A_165 : i32 to vector<8x1024xi32>
    %select_n3A_173 = arith.select %lt3A_170, %broadcast_in_dim3A_172, %select_n3A_160 : vector<8x1024xi1>, vector<8x1024xi32>
    %slice3A_174 = vector.extract_strided_slice %dot_general3A_12 {offsets = [96, 0], sizes = [8, 1024], strides = [1, 1]} : vector<1024x1024xf32> to vector<8x1024xf32>
    %mul3A_175 = arith.constant 128 : i32
    %mul3A_176 = arith.muli %arg0, %mul3A_175 : i32
    %add3A_177 = arith.constant 12 : i32
    %add3A_178 = arith.addi %mul3A_176, %add3A_177 : i32
    %gt3A_179 = arith.cmpf ogt, %slice3A_174, %select_n3A_167 : vector<8x1024xf32>
    %select_n3A_180 = arith.select %gt3A_179, %slice3A_174, %select_n3A_167 : vector<8x1024xi1>, vector<8x1024xf32>
    %broadcast_in_dim3A_181 = vector.broadcast %add3A_178 : i32 to vector<8x1024xi32>
    %select_n3A_182 = arith.select %gt3A_179, %broadcast_in_dim3A_181, %select_n3A_169 : vector<8x1024xi1>, vector<8x1024xi32>
    %lt3A_183 = arith.cmpf olt, %slice3A_174, %select_n3A_171 : vector<8x1024xf32>
    %select_n3A_184 = arith.select %lt3A_183, %slice3A_174, %select_n3A_171 : vector<8x1024xi1>, vector<8x1024xf32>
    %broadcast_in_dim3A_185 = vector.broadcast %add3A_178 : i32 to vector<8x1024xi32>
    %select_n3A_186 = arith.select %lt3A_183, %broadcast_in_dim3A_185, %select_n3A_173 : vector<8x1024xi1>, vector<8x1024xi32>
    %slice3A_187 = vector.extract_strided_slice %dot_general3A_12 {offsets = [104, 0], sizes = [8, 1024], strides = [1, 1]} : vector<1024x1024xf32> to vector<8x1024xf32>
    %mul3A_188 = arith.constant 128 : i32
    %mul3A_189 = arith.muli %arg0, %mul3A_188 : i32
    %add3A_190 = arith.constant 13 : i32
    %add3A_191 = arith.addi %mul3A_189, %add3A_190 : i32
    %gt3A_192 = arith.cmpf ogt, %slice3A_187, %select_n3A_180 : vector<8x1024xf32>
    %select_n3A_193 = arith.select %gt3A_192, %slice3A_187, %select_n3A_180 : vector<8x1024xi1>, vector<8x1024xf32>
    %broadcast_in_dim3A_194 = vector.broadcast %add3A_191 : i32 to vector<8x1024xi32>
    %select_n3A_195 = arith.select %gt3A_192, %broadcast_in_dim3A_194, %select_n3A_182 : vector<8x1024xi1>, vector<8x1024xi32>
    %lt3A_196 = arith.cmpf olt, %slice3A_187, %select_n3A_184 : vector<8x1024xf32>
    %select_n3A_197 = arith.select %lt3A_196, %slice3A_187, %select_n3A_184 : vector<8x1024xi1>, vector<8x1024xf32>
    %broadcast_in_dim3A_198 = vector.broadcast %add3A_191 : i32 to vector<8x1024xi32>
    %select_n3A_199 = arith.select %lt3A_196, %broadcast_in_dim3A_198, %select_n3A_186 : vector<8x1024xi1>, vector<8x1024xi32>
    %slice3A_200 = vector.extract_strided_slice %dot_general3A_12 {offsets = [112, 0], sizes = [8, 1024], strides = [1, 1]} : vector<1024x1024xf32> to vector<8x1024xf32>
    %mul3A_201 = arith.constant 128 : i32
    %mul3A_202 = arith.muli %arg0, %mul3A_201 : i32
    %add3A_203 = arith.constant 14 : i32
    %add3A_204 = arith.addi %mul3A_202, %add3A_203 : i32
    %gt3A_205 = arith.cmpf ogt, %slice3A_200, %select_n3A_193 : vector<8x1024xf32>
    %select_n3A_206 = arith.select %gt3A_205, %slice3A_200, %select_n3A_193 : vector<8x1024xi1>, vector<8x1024xf32>
    %broadcast_in_dim3A_207 = vector.broadcast %add3A_204 : i32 to vector<8x1024xi32>
    %select_n3A_208 = arith.select %gt3A_205, %broadcast_in_dim3A_207, %select_n3A_195 : vector<8x1024xi1>, vector<8x1024xi32>
    %lt3A_209 = arith.cmpf olt, %slice3A_200, %select_n3A_197 : vector<8x1024xf32>
    %select_n3A_210 = arith.select %lt3A_209, %slice3A_200, %select_n3A_197 : vector<8x1024xi1>, vector<8x1024xf32>
    %broadcast_in_dim3A_211 = vector.broadcast %add3A_204 : i32 to vector<8x1024xi32>
    %select_n3A_212 = arith.select %lt3A_209, %broadcast_in_dim3A_211, %select_n3A_199 : vector<8x1024xi1>, vector<8x1024xi32>
    %slice3A_213 = vector.extract_strided_slice %dot_general3A_12 {offsets = [120, 0], sizes = [8, 1024], strides = [1, 1]} : vector<1024x1024xf32> to vector<8x1024xf32>
    %mul3A_214 = arith.constant 128 : i32
    %mul3A_215 = arith.muli %arg0, %mul3A_214 : i32
    %add3A_216 = arith.constant 15 : i32
    %add3A_217 = arith.addi %mul3A_215, %add3A_216 : i32
    %gt3A_218 = arith.cmpf ogt, %slice3A_213, %select_n3A_206 : vector<8x1024xf32>
    %select_n3A_219 = arith.select %gt3A_218, %slice3A_213, %select_n3A_206 : vector<8x1024xi1>, vector<8x1024xf32>
    %broadcast_in_dim3A_220 = vector.broadcast %add3A_217 : i32 to vector<8x1024xi32>
    %select_n3A_221 = arith.select %gt3A_218, %broadcast_in_dim3A_220, %select_n3A_208 : vector<8x1024xi1>, vector<8x1024xi32>
    %lt3A_222 = arith.cmpf olt, %slice3A_213, %select_n3A_210 : vector<8x1024xf32>
    %select_n3A_223 = arith.select %lt3A_222, %slice3A_213, %select_n3A_210 : vector<8x1024xi1>, vector<8x1024xf32>
    %broadcast_in_dim3A_224 = vector.broadcast %add3A_217 : i32 to vector<8x1024xi32>
    %select_n3A_225 = arith.select %lt3A_222, %broadcast_in_dim3A_224, %select_n3A_212 : vector<8x1024xi1>, vector<8x1024xi32>
    %slice3A_226 = vector.extract_strided_slice %dot_general3A_12 {offsets = [128, 0], sizes = [8, 1024], strides = [1, 1]} : vector<1024x1024xf32> to vector<8x1024xf32>
    %mul3A_227 = arith.constant 128 : i32
    %mul3A_228 = arith.muli %arg0, %mul3A_227 : i32
    %add3A_229 = arith.constant 16 : i32
    %add3A_230 = arith.addi %mul3A_228, %add3A_229 : i32
    %gt3A_231 = arith.cmpf ogt, %slice3A_226, %select_n3A_219 : vector<8x1024xf32>
    %select_n3A_232 = arith.select %gt3A_231, %slice3A_226, %select_n3A_219 : vector<8x1024xi1>, vector<8x1024xf32>
    %broadcast_in_dim3A_233 = vector.broadcast %add3A_230 : i32 to vector<8x1024xi32>
    %select_n3A_234 = arith.select %gt3A_231, %broadcast_in_dim3A_233, %select_n3A_221 : vector<8x1024xi1>, vector<8x1024xi32>
    %lt3A_235 = arith.cmpf olt, %slice3A_226, %select_n3A_223 : vector<8x1024xf32>
    %select_n3A_236 = arith.select %lt3A_235, %slice3A_226, %select_n3A_223 : vector<8x1024xi1>, vector<8x1024xf32>
    %broadcast_in_dim3A_237 = vector.broadcast %add3A_230 : i32 to vector<8x1024xi32>
    %select_n3A_238 = arith.select %lt3A_235, %broadcast_in_dim3A_237, %select_n3A_225 : vector<8x1024xi1>, vector<8x1024xi32>
    %slice3A_239 = vector.extract_strided_slice %dot_general3A_12 {offsets = [136, 0], sizes = [8, 1024], strides = [1, 1]} : vector<1024x1024xf32> to vector<8x1024xf32>
    %mul3A_240 = arith.constant 128 : i32
    %mul3A_241 = arith.muli %arg0, %mul3A_240 : i32
    %add3A_242 = arith.constant 17 : i32
    %add3A_243 = arith.addi %mul3A_241, %add3A_242 : i32
    %gt3A_244 = arith.cmpf ogt, %slice3A_239, %select_n3A_232 : vector<8x1024xf32>
    %select_n3A_245 = arith.select %gt3A_244, %slice3A_239, %select_n3A_232 : vector<8x1024xi1>, vector<8x1024xf32>
    %broadcast_in_dim3A_246 = vector.broadcast %add3A_243 : i32 to vector<8x1024xi32>
    %select_n3A_247 = arith.select %gt3A_244, %broadcast_in_dim3A_246, %select_n3A_234 : vector<8x1024xi1>, vector<8x1024xi32>
    %lt3A_248 = arith.cmpf olt, %slice3A_239, %select_n3A_236 : vector<8x1024xf32>
    %select_n3A_249 = arith.select %lt3A_248, %slice3A_239, %select_n3A_236 : vector<8x1024xi1>, vector<8x1024xf32>
    %broadcast_in_dim3A_250 = vector.broadcast %add3A_243 : i32 to vector<8x1024xi32>
    %select_n3A_251 = arith.select %lt3A_248, %broadcast_in_dim3A_250, %select_n3A_238 : vector<8x1024xi1>, vector<8x1024xi32>
    %slice3A_252 = vector.extract_strided_slice %dot_general3A_12 {offsets = [144, 0], sizes = [8, 1024], strides = [1, 1]} : vector<1024x1024xf32> to vector<8x1024xf32>
    %mul3A_253 = arith.constant 128 : i32
    %mul3A_254 = arith.muli %arg0, %mul3A_253 : i32
    %add3A_255 = arith.constant 18 : i32
    %add3A_256 = arith.addi %mul3A_254, %add3A_255 : i32
    %gt3A_257 = arith.cmpf ogt, %slice3A_252, %select_n3A_245 : vector<8x1024xf32>
    %select_n3A_258 = arith.select %gt3A_257, %slice3A_252, %select_n3A_245 : vector<8x1024xi1>, vector<8x1024xf32>
    %broadcast_in_dim3A_259 = vector.broadcast %add3A_256 : i32 to vector<8x1024xi32>
    %select_n3A_260 = arith.select %gt3A_257, %broadcast_in_dim3A_259, %select_n3A_247 : vector<8x1024xi1>, vector<8x1024xi32>
    %lt3A_261 = arith.cmpf olt, %slice3A_252, %select_n3A_249 : vector<8x1024xf32>
    %select_n3A_262 = arith.select %lt3A_261, %slice3A_252, %select_n3A_249 : vector<8x1024xi1>, vector<8x1024xf32>
    %broadcast_in_dim3A_263 = vector.broadcast %add3A_256 : i32 to vector<8x1024xi32>
    %select_n3A_264 = arith.select %lt3A_261, %broadcast_in_dim3A_263, %select_n3A_251 : vector<8x1024xi1>, vector<8x1024xi32>
    %slice3A_265 = vector.extract_strided_slice %dot_general3A_12 {offsets = [152, 0], sizes = [8, 1024], strides = [1, 1]} : vector<1024x1024xf32> to vector<8x1024xf32>
    %mul3A_266 = arith.constant 128 : i32
    %mul3A_267 = arith.muli %arg0, %mul3A_266 : i32
    %add3A_268 = arith.constant 19 : i32
    %add3A_269 = arith.addi %mul3A_267, %add3A_268 : i32
    %gt3A_270 = arith.cmpf ogt, %slice3A_265, %select_n3A_258 : vector<8x1024xf32>
    %select_n3A_271 = arith.select %gt3A_270, %slice3A_265, %select_n3A_258 : vector<8x1024xi1>, vector<8x1024xf32>
    %broadcast_in_dim3A_272 = vector.broadcast %add3A_269 : i32 to vector<8x1024xi32>
    %select_n3A_273 = arith.select %gt3A_270, %broadcast_in_dim3A_272, %select_n3A_260 : vector<8x1024xi1>, vector<8x1024xi32>
    %lt3A_274 = arith.cmpf olt, %slice3A_265, %select_n3A_262 : vector<8x1024xf32>
    %select_n3A_275 = arith.select %lt3A_274, %slice3A_265, %select_n3A_262 : vector<8x1024xi1>, vector<8x1024xf32>
    %broadcast_in_dim3A_276 = vector.broadcast %add3A_269 : i32 to vector<8x1024xi32>
    %select_n3A_277 = arith.select %lt3A_274, %broadcast_in_dim3A_276, %select_n3A_264 : vector<8x1024xi1>, vector<8x1024xi32>
    %slice3A_278 = vector.extract_strided_slice %dot_general3A_12 {offsets = [160, 0], sizes = [8, 1024], strides = [1, 1]} : vector<1024x1024xf32> to vector<8x1024xf32>
    %mul3A_279 = arith.constant 128 : i32
    %mul3A_280 = arith.muli %arg0, %mul3A_279 : i32
    %add3A_281 = arith.constant 20 : i32
    %add3A_282 = arith.addi %mul3A_280, %add3A_281 : i32
    %gt3A_283 = arith.cmpf ogt, %slice3A_278, %select_n3A_271 : vector<8x1024xf32>
    %select_n3A_284 = arith.select %gt3A_283, %slice3A_278, %select_n3A_271 : vector<8x1024xi1>, vector<8x1024xf32>
    %broadcast_in_dim3A_285 = vector.broadcast %add3A_282 : i32 to vector<8x1024xi32>
    %select_n3A_286 = arith.select %gt3A_283, %broadcast_in_dim3A_285, %select_n3A_273 : vector<8x1024xi1>, vector<8x1024xi32>
    %lt3A_287 = arith.cmpf olt, %slice3A_278, %select_n3A_275 : vector<8x1024xf32>
    %select_n3A_288 = arith.select %lt3A_287, %slice3A_278, %select_n3A_275 : vector<8x1024xi1>, vector<8x1024xf32>
    %broadcast_in_dim3A_289 = vector.broadcast %add3A_282 : i32 to vector<8x1024xi32>
    %select_n3A_290 = arith.select %lt3A_287, %broadcast_in_dim3A_289, %select_n3A_277 : vector<8x1024xi1>, vector<8x1024xi32>
    %slice3A_291 = vector.extract_strided_slice %dot_general3A_12 {offsets = [168, 0], sizes = [8, 1024], strides = [1, 1]} : vector<1024x1024xf32> to vector<8x1024xf32>
    %mul3A_292 = arith.constant 128 : i32
    %mul3A_293 = arith.muli %arg0, %mul3A_292 : i32
    %add3A_294 = arith.constant 21 : i32
    %add3A_295 = arith.addi %mul3A_293, %add3A_294 : i32
    %gt3A_296 = arith.cmpf ogt, %slice3A_291, %select_n3A_284 : vector<8x1024xf32>
    %select_n3A_297 = arith.select %gt3A_296, %slice3A_291, %select_n3A_284 : vector<8x1024xi1>, vector<8x1024xf32>
    %broadcast_in_dim3A_298 = vector.broadcast %add3A_295 : i32 to vector<8x1024xi32>
    %select_n3A_299 = arith.select %gt3A_296, %broadcast_in_dim3A_298, %select_n3A_286 : vector<8x1024xi1>, vector<8x1024xi32>
    %lt3A_300 = arith.cmpf olt, %slice3A_291, %select_n3A_288 : vector<8x1024xf32>
    %select_n3A_301 = arith.select %lt3A_300, %slice3A_291, %select_n3A_288 : vector<8x1024xi1>, vector<8x1024xf32>
    %broadcast_in_dim3A_302 = vector.broadcast %add3A_295 : i32 to vector<8x1024xi32>
    %select_n3A_303 = arith.select %lt3A_300, %broadcast_in_dim3A_302, %select_n3A_290 : vector<8x1024xi1>, vector<8x1024xi32>
    %slice3A_304 = vector.extract_strided_slice %dot_general3A_12 {offsets = [176, 0], sizes = [8, 1024], strides = [1, 1]} : vector<1024x1024xf32> to vector<8x1024xf32>
    %mul3A_305 = arith.constant 128 : i32
    %mul3A_306 = arith.muli %arg0, %mul3A_305 : i32
    %add3A_307 = arith.constant 22 : i32
    %add3A_308 = arith.addi %mul3A_306, %add3A_307 : i32
    %gt3A_309 = arith.cmpf ogt, %slice3A_304, %select_n3A_297 : vector<8x1024xf32>
    %select_n3A_310 = arith.select %gt3A_309, %slice3A_304, %select_n3A_297 : vector<8x1024xi1>, vector<8x1024xf32>
    %broadcast_in_dim3A_311 = vector.broadcast %add3A_308 : i32 to vector<8x1024xi32>
    %select_n3A_312 = arith.select %gt3A_309, %broadcast_in_dim3A_311, %select_n3A_299 : vector<8x1024xi1>, vector<8x1024xi32>
    %lt3A_313 = arith.cmpf olt, %slice3A_304, %select_n3A_301 : vector<8x1024xf32>
    %select_n3A_314 = arith.select %lt3A_313, %slice3A_304, %select_n3A_301 : vector<8x1024xi1>, vector<8x1024xf32>
    %broadcast_in_dim3A_315 = vector.broadcast %add3A_308 : i32 to vector<8x1024xi32>
    %select_n3A_316 = arith.select %lt3A_313, %broadcast_in_dim3A_315, %select_n3A_303 : vector<8x1024xi1>, vector<8x1024xi32>
    %slice3A_317 = vector.extract_strided_slice %dot_general3A_12 {offsets = [184, 0], sizes = [8, 1024], strides = [1, 1]} : vector<1024x1024xf32> to vector<8x1024xf32>
    %mul3A_318 = arith.constant 128 : i32
    %mul3A_319 = arith.muli %arg0, %mul3A_318 : i32
    %add3A_320 = arith.constant 23 : i32
    %add3A_321 = arith.addi %mul3A_319, %add3A_320 : i32
    %gt3A_322 = arith.cmpf ogt, %slice3A_317, %select_n3A_310 : vector<8x1024xf32>
    %select_n3A_323 = arith.select %gt3A_322, %slice3A_317, %select_n3A_310 : vector<8x1024xi1>, vector<8x1024xf32>
    %broadcast_in_dim3A_324 = vector.broadcast %add3A_321 : i32 to vector<8x1024xi32>
    %select_n3A_325 = arith.select %gt3A_322, %broadcast_in_dim3A_324, %select_n3A_312 : vector<8x1024xi1>, vector<8x1024xi32>
    %lt3A_326 = arith.cmpf olt, %slice3A_317, %select_n3A_314 : vector<8x1024xf32>
    %select_n3A_327 = arith.select %lt3A_326, %slice3A_317, %select_n3A_314 : vector<8x1024xi1>, vector<8x1024xf32>
    %broadcast_in_dim3A_328 = vector.broadcast %add3A_321 : i32 to vector<8x1024xi32>
    %select_n3A_329 = arith.select %lt3A_326, %broadcast_in_dim3A_328, %select_n3A_316 : vector<8x1024xi1>, vector<8x1024xi32>
    %slice3A_330 = vector.extract_strided_slice %dot_general3A_12 {offsets = [192, 0], sizes = [8, 1024], strides = [1, 1]} : vector<1024x1024xf32> to vector<8x1024xf32>
    %mul3A_331 = arith.constant 128 : i32
    %mul3A_332 = arith.muli %arg0, %mul3A_331 : i32
    %add3A_333 = arith.constant 24 : i32
    %add3A_334 = arith.addi %mul3A_332, %add3A_333 : i32
    %gt3A_335 = arith.cmpf ogt, %slice3A_330, %select_n3A_323 : vector<8x1024xf32>
    %select_n3A_336 = arith.select %gt3A_335, %slice3A_330, %select_n3A_323 : vector<8x1024xi1>, vector<8x1024xf32>
    %broadcast_in_dim3A_337 = vector.broadcast %add3A_334 : i32 to vector<8x1024xi32>
    %select_n3A_338 = arith.select %gt3A_335, %broadcast_in_dim3A_337, %select_n3A_325 : vector<8x1024xi1>, vector<8x1024xi32>
    %lt3A_339 = arith.cmpf olt, %slice3A_330, %select_n3A_327 : vector<8x1024xf32>
    %select_n3A_340 = arith.select %lt3A_339, %slice3A_330, %select_n3A_327 : vector<8x1024xi1>, vector<8x1024xf32>
    %broadcast_in_dim3A_341 = vector.broadcast %add3A_334 : i32 to vector<8x1024xi32>
    %select_n3A_342 = arith.select %lt3A_339, %broadcast_in_dim3A_341, %select_n3A_329 : vector<8x1024xi1>, vector<8x1024xi32>
    %slice3A_343 = vector.extract_strided_slice %dot_general3A_12 {offsets = [200, 0], sizes = [8, 1024], strides = [1, 1]} : vector<1024x1024xf32> to vector<8x1024xf32>
    %mul3A_344 = arith.constant 128 : i32
    %mul3A_345 = arith.muli %arg0, %mul3A_344 : i32
    %add3A_346 = arith.constant 25 : i32
    %add3A_347 = arith.addi %mul3A_345, %add3A_346 : i32
    %gt3A_348 = arith.cmpf ogt, %slice3A_343, %select_n3A_336 : vector<8x1024xf32>
    %select_n3A_349 = arith.select %gt3A_348, %slice3A_343, %select_n3A_336 : vector<8x1024xi1>, vector<8x1024xf32>
    %broadcast_in_dim3A_350 = vector.broadcast %add3A_347 : i32 to vector<8x1024xi32>
    %select_n3A_351 = arith.select %gt3A_348, %broadcast_in_dim3A_350, %select_n3A_338 : vector<8x1024xi1>, vector<8x1024xi32>
    %lt3A_352 = arith.cmpf olt, %slice3A_343, %select_n3A_340 : vector<8x1024xf32>
    %select_n3A_353 = arith.select %lt3A_352, %slice3A_343, %select_n3A_340 : vector<8x1024xi1>, vector<8x1024xf32>
    %broadcast_in_dim3A_354 = vector.broadcast %add3A_347 : i32 to vector<8x1024xi32>
    %select_n3A_355 = arith.select %lt3A_352, %broadcast_in_dim3A_354, %select_n3A_342 : vector<8x1024xi1>, vector<8x1024xi32>
    %slice3A_356 = vector.extract_strided_slice %dot_general3A_12 {offsets = [208, 0], sizes = [8, 1024], strides = [1, 1]} : vector<1024x1024xf32> to vector<8x1024xf32>
    %mul3A_357 = arith.constant 128 : i32
    %mul3A_358 = arith.muli %arg0, %mul3A_357 : i32
    %add3A_359 = arith.constant 26 : i32
    %add3A_360 = arith.addi %mul3A_358, %add3A_359 : i32
    %gt3A_361 = arith.cmpf ogt, %slice3A_356, %select_n3A_349 : vector<8x1024xf32>
    %select_n3A_362 = arith.select %gt3A_361, %slice3A_356, %select_n3A_349 : vector<8x1024xi1>, vector<8x1024xf32>
    %broadcast_in_dim3A_363 = vector.broadcast %add3A_360 : i32 to vector<8x1024xi32>
    %select_n3A_364 = arith.select %gt3A_361, %broadcast_in_dim3A_363, %select_n3A_351 : vector<8x1024xi1>, vector<8x1024xi32>
    %lt3A_365 = arith.cmpf olt, %slice3A_356, %select_n3A_353 : vector<8x1024xf32>
    %select_n3A_366 = arith.select %lt3A_365, %slice3A_356, %select_n3A_353 : vector<8x1024xi1>, vector<8x1024xf32>
    %broadcast_in_dim3A_367 = vector.broadcast %add3A_360 : i32 to vector<8x1024xi32>
    %select_n3A_368 = arith.select %lt3A_365, %broadcast_in_dim3A_367, %select_n3A_355 : vector<8x1024xi1>, vector<8x1024xi32>
    %slice3A_369 = vector.extract_strided_slice %dot_general3A_12 {offsets = [216, 0], sizes = [8, 1024], strides = [1, 1]} : vector<1024x1024xf32> to vector<8x1024xf32>
    %mul3A_370 = arith.constant 128 : i32
    %mul3A_371 = arith.muli %arg0, %mul3A_370 : i32
    %add3A_372 = arith.constant 27 : i32
    %add3A_373 = arith.addi %mul3A_371, %add3A_372 : i32
    %gt3A_374 = arith.cmpf ogt, %slice3A_369, %select_n3A_362 : vector<8x1024xf32>
    %select_n3A_375 = arith.select %gt3A_374, %slice3A_369, %select_n3A_362 : vector<8x1024xi1>, vector<8x1024xf32>
    %broadcast_in_dim3A_376 = vector.broadcast %add3A_373 : i32 to vector<8x1024xi32>
    %select_n3A_377 = arith.select %gt3A_374, %broadcast_in_dim3A_376, %select_n3A_364 : vector<8x1024xi1>, vector<8x1024xi32>
    %lt3A_378 = arith.cmpf olt, %slice3A_369, %select_n3A_366 : vector<8x1024xf32>
    %select_n3A_379 = arith.select %lt3A_378, %slice3A_369, %select_n3A_366 : vector<8x1024xi1>, vector<8x1024xf32>
    %broadcast_in_dim3A_380 = vector.broadcast %add3A_373 : i32 to vector<8x1024xi32>
    %select_n3A_381 = arith.select %lt3A_378, %broadcast_in_dim3A_380, %select_n3A_368 : vector<8x1024xi1>, vector<8x1024xi32>
    %slice3A_382 = vector.extract_strided_slice %dot_general3A_12 {offsets = [224, 0], sizes = [8, 1024], strides = [1, 1]} : vector<1024x1024xf32> to vector<8x1024xf32>
    %mul3A_383 = arith.constant 128 : i32
    %mul3A_384 = arith.muli %arg0, %mul3A_383 : i32
    %add3A_385 = arith.constant 28 : i32
    %add3A_386 = arith.addi %mul3A_384, %add3A_385 : i32
    %gt3A_387 = arith.cmpf ogt, %slice3A_382, %select_n3A_375 : vector<8x1024xf32>
    %select_n3A_388 = arith.select %gt3A_387, %slice3A_382, %select_n3A_375 : vector<8x1024xi1>, vector<8x1024xf32>
    %broadcast_in_dim3A_389 = vector.broadcast %add3A_386 : i32 to vector<8x1024xi32>
    %select_n3A_390 = arith.select %gt3A_387, %broadcast_in_dim3A_389, %select_n3A_377 : vector<8x1024xi1>, vector<8x1024xi32>
    %lt3A_391 = arith.cmpf olt, %slice3A_382, %select_n3A_379 : vector<8x1024xf32>
    %select_n3A_392 = arith.select %lt3A_391, %slice3A_382, %select_n3A_379 : vector<8x1024xi1>, vector<8x1024xf32>
    %broadcast_in_dim3A_393 = vector.broadcast %add3A_386 : i32 to vector<8x1024xi32>
    %select_n3A_394 = arith.select %lt3A_391, %broadcast_in_dim3A_393, %select_n3A_381 : vector<8x1024xi1>, vector<8x1024xi32>
    %slice3A_395 = vector.extract_strided_slice %dot_general3A_12 {offsets = [232, 0], sizes = [8, 1024], strides = [1, 1]} : vector<1024x1024xf32> to vector<8x1024xf32>
    %mul3A_396 = arith.constant 128 : i32
    %mul3A_397 = arith.muli %arg0, %mul3A_396 : i32
    %add3A_398 = arith.constant 29 : i32
    %add3A_399 = arith.addi %mul3A_397, %add3A_398 : i32
    %gt3A_400 = arith.cmpf ogt, %slice3A_395, %select_n3A_388 : vector<8x1024xf32>
    %select_n3A_401 = arith.select %gt3A_400, %slice3A_395, %select_n3A_388 : vector<8x1024xi1>, vector<8x1024xf32>
    %broadcast_in_dim3A_402 = vector.broadcast %add3A_399 : i32 to vector<8x1024xi32>
    %select_n3A_403 = arith.select %gt3A_400, %broadcast_in_dim3A_402, %select_n3A_390 : vector<8x1024xi1>, vector<8x1024xi32>
    %lt3A_404 = arith.cmpf olt, %slice3A_395, %select_n3A_392 : vector<8x1024xf32>
    %select_n3A_405 = arith.select %lt3A_404, %slice3A_395, %select_n3A_392 : vector<8x1024xi1>, vector<8x1024xf32>
    %broadcast_in_dim3A_406 = vector.broadcast %add3A_399 : i32 to vector<8x1024xi32>
    %select_n3A_407 = arith.select %lt3A_404, %broadcast_in_dim3A_406, %select_n3A_394 : vector<8x1024xi1>, vector<8x1024xi32>
    %slice3A_408 = vector.extract_strided_slice %dot_general3A_12 {offsets = [240, 0], sizes = [8, 1024], strides = [1, 1]} : vector<1024x1024xf32> to vector<8x1024xf32>
    %mul3A_409 = arith.constant 128 : i32
    %mul3A_410 = arith.muli %arg0, %mul3A_409 : i32
    %add3A_411 = arith.constant 30 : i32
    %add3A_412 = arith.addi %mul3A_410, %add3A_411 : i32
    %gt3A_413 = arith.cmpf ogt, %slice3A_408, %select_n3A_401 : vector<8x1024xf32>
    %select_n3A_414 = arith.select %gt3A_413, %slice3A_408, %select_n3A_401 : vector<8x1024xi1>, vector<8x1024xf32>
    %broadcast_in_dim3A_415 = vector.broadcast %add3A_412 : i32 to vector<8x1024xi32>
    %select_n3A_416 = arith.select %gt3A_413, %broadcast_in_dim3A_415, %select_n3A_403 : vector<8x1024xi1>, vector<8x1024xi32>
    %lt3A_417 = arith.cmpf olt, %slice3A_408, %select_n3A_405 : vector<8x1024xf32>
    %select_n3A_418 = arith.select %lt3A_417, %slice3A_408, %select_n3A_405 : vector<8x1024xi1>, vector<8x1024xf32>
    %broadcast_in_dim3A_419 = vector.broadcast %add3A_412 : i32 to vector<8x1024xi32>
    %select_n3A_420 = arith.select %lt3A_417, %broadcast_in_dim3A_419, %select_n3A_407 : vector<8x1024xi1>, vector<8x1024xi32>
    %slice3A_421 = vector.extract_strided_slice %dot_general3A_12 {offsets = [248, 0], sizes = [8, 1024], strides = [1, 1]} : vector<1024x1024xf32> to vector<8x1024xf32>
    %mul3A_422 = arith.constant 128 : i32
    %mul3A_423 = arith.muli %arg0, %mul3A_422 : i32
    %add3A_424 = arith.constant 31 : i32
    %add3A_425 = arith.addi %mul3A_423, %add3A_424 : i32
    %gt3A_426 = arith.cmpf ogt, %slice3A_421, %select_n3A_414 : vector<8x1024xf32>
    %select_n3A_427 = arith.select %gt3A_426, %slice3A_421, %select_n3A_414 : vector<8x1024xi1>, vector<8x1024xf32>
    %broadcast_in_dim3A_428 = vector.broadcast %add3A_425 : i32 to vector<8x1024xi32>
    %select_n3A_429 = arith.select %gt3A_426, %broadcast_in_dim3A_428, %select_n3A_416 : vector<8x1024xi1>, vector<8x1024xi32>
    %lt3A_430 = arith.cmpf olt, %slice3A_421, %select_n3A_418 : vector<8x1024xf32>
    %select_n3A_431 = arith.select %lt3A_430, %slice3A_421, %select_n3A_418 : vector<8x1024xi1>, vector<8x1024xf32>
    %broadcast_in_dim3A_432 = vector.broadcast %add3A_425 : i32 to vector<8x1024xi32>
    %select_n3A_433 = arith.select %lt3A_430, %broadcast_in_dim3A_432, %select_n3A_420 : vector<8x1024xi1>, vector<8x1024xi32>
    %slice3A_434 = vector.extract_strided_slice %dot_general3A_12 {offsets = [256, 0], sizes = [8, 1024], strides = [1, 1]} : vector<1024x1024xf32> to vector<8x1024xf32>
    %mul3A_435 = arith.constant 128 : i32
    %mul3A_436 = arith.muli %arg0, %mul3A_435 : i32
    %add3A_437 = arith.constant 32 : i32
    %add3A_438 = arith.addi %mul3A_436, %add3A_437 : i32
    %gt3A_439 = arith.cmpf ogt, %slice3A_434, %select_n3A_427 : vector<8x1024xf32>
    %select_n3A_440 = arith.select %gt3A_439, %slice3A_434, %select_n3A_427 : vector<8x1024xi1>, vector<8x1024xf32>
    %broadcast_in_dim3A_441 = vector.broadcast %add3A_438 : i32 to vector<8x1024xi32>
    %select_n3A_442 = arith.select %gt3A_439, %broadcast_in_dim3A_441, %select_n3A_429 : vector<8x1024xi1>, vector<8x1024xi32>
    %lt3A_443 = arith.cmpf olt, %slice3A_434, %select_n3A_431 : vector<8x1024xf32>
    %select_n3A_444 = arith.select %lt3A_443, %slice3A_434, %select_n3A_431 : vector<8x1024xi1>, vector<8x1024xf32>
    %broadcast_in_dim3A_445 = vector.broadcast %add3A_438 : i32 to vector<8x1024xi32>
    %select_n3A_446 = arith.select %lt3A_443, %broadcast_in_dim3A_445, %select_n3A_433 : vector<8x1024xi1>, vector<8x1024xi32>
    %slice3A_447 = vector.extract_strided_slice %dot_general3A_12 {offsets = [264, 0], sizes = [8, 1024], strides = [1, 1]} : vector<1024x1024xf32> to vector<8x1024xf32>
    %mul3A_448 = arith.constant 128 : i32
    %mul3A_449 = arith.muli %arg0, %mul3A_448 : i32
    %add3A_450 = arith.constant 33 : i32
    %add3A_451 = arith.addi %mul3A_449, %add3A_450 : i32
    %gt3A_452 = arith.cmpf ogt, %slice3A_447, %select_n3A_440 : vector<8x1024xf32>
    %select_n3A_453 = arith.select %gt3A_452, %slice3A_447, %select_n3A_440 : vector<8x1024xi1>, vector<8x1024xf32>
    %broadcast_in_dim3A_454 = vector.broadcast %add3A_451 : i32 to vector<8x1024xi32>
    %select_n3A_455 = arith.select %gt3A_452, %broadcast_in_dim3A_454, %select_n3A_442 : vector<8x1024xi1>, vector<8x1024xi32>
    %lt3A_456 = arith.cmpf olt, %slice3A_447, %select_n3A_444 : vector<8x1024xf32>
    %select_n3A_457 = arith.select %lt3A_456, %slice3A_447, %select_n3A_444 : vector<8x1024xi1>, vector<8x1024xf32>
    %broadcast_in_dim3A_458 = vector.broadcast %add3A_451 : i32 to vector<8x1024xi32>
    %select_n3A_459 = arith.select %lt3A_456, %broadcast_in_dim3A_458, %select_n3A_446 : vector<8x1024xi1>, vector<8x1024xi32>
    %slice3A_460 = vector.extract_strided_slice %dot_general3A_12 {offsets = [272, 0], sizes = [8, 1024], strides = [1, 1]} : vector<1024x1024xf32> to vector<8x1024xf32>
    %mul3A_461 = arith.constant 128 : i32
    %mul3A_462 = arith.muli %arg0, %mul3A_461 : i32
    %add3A_463 = arith.constant 34 : i32
    %add3A_464 = arith.addi %mul3A_462, %add3A_463 : i32
    %gt3A_465 = arith.cmpf ogt, %slice3A_460, %select_n3A_453 : vector<8x1024xf32>
    %select_n3A_466 = arith.select %gt3A_465, %slice3A_460, %select_n3A_453 : vector<8x1024xi1>, vector<8x1024xf32>
    %broadcast_in_dim3A_467 = vector.broadcast %add3A_464 : i32 to vector<8x1024xi32>
    %select_n3A_468 = arith.select %gt3A_465, %broadcast_in_dim3A_467, %select_n3A_455 : vector<8x1024xi1>, vector<8x1024xi32>
    %lt3A_469 = arith.cmpf olt, %slice3A_460, %select_n3A_457 : vector<8x1024xf32>
    %select_n3A_470 = arith.select %lt3A_469, %slice3A_460, %select_n3A_457 : vector<8x1024xi1>, vector<8x1024xf32>
    %broadcast_in_dim3A_471 = vector.broadcast %add3A_464 : i32 to vector<8x1024xi32>
    %select_n3A_472 = arith.select %lt3A_469, %broadcast_in_dim3A_471, %select_n3A_459 : vector<8x1024xi1>, vector<8x1024xi32>
    %slice3A_473 = vector.extract_strided_slice %dot_general3A_12 {offsets = [280, 0], sizes = [8, 1024], strides = [1, 1]} : vector<1024x1024xf32> to vector<8x1024xf32>
    %mul3A_474 = arith.constant 128 : i32
    %mul3A_475 = arith.muli %arg0, %mul3A_474 : i32
    %add3A_476 = arith.constant 35 : i32
    %add3A_477 = arith.addi %mul3A_475, %add3A_476 : i32
    %gt3A_478 = arith.cmpf ogt, %slice3A_473, %select_n3A_466 : vector<8x1024xf32>
    %select_n3A_479 = arith.select %gt3A_478, %slice3A_473, %select_n3A_466 : vector<8x1024xi1>, vector<8x1024xf32>
    %broadcast_in_dim3A_480 = vector.broadcast %add3A_477 : i32 to vector<8x1024xi32>
    %select_n3A_481 = arith.select %gt3A_478, %broadcast_in_dim3A_480, %select_n3A_468 : vector<8x1024xi1>, vector<8x1024xi32>
    %lt3A_482 = arith.cmpf olt, %slice3A_473, %select_n3A_470 : vector<8x1024xf32>
    %select_n3A_483 = arith.select %lt3A_482, %slice3A_473, %select_n3A_470 : vector<8x1024xi1>, vector<8x1024xf32>
    %broadcast_in_dim3A_484 = vector.broadcast %add3A_477 : i32 to vector<8x1024xi32>
    %select_n3A_485 = arith.select %lt3A_482, %broadcast_in_dim3A_484, %select_n3A_472 : vector<8x1024xi1>, vector<8x1024xi32>
    %slice3A_486 = vector.extract_strided_slice %dot_general3A_12 {offsets = [288, 0], sizes = [8, 1024], strides = [1, 1]} : vector<1024x1024xf32> to vector<8x1024xf32>
    %mul3A_487 = arith.constant 128 : i32
    %mul3A_488 = arith.muli %arg0, %mul3A_487 : i32
    %add3A_489 = arith.constant 36 : i32
    %add3A_490 = arith.addi %mul3A_488, %add3A_489 : i32
    %gt3A_491 = arith.cmpf ogt, %slice3A_486, %select_n3A_479 : vector<8x1024xf32>
    %select_n3A_492 = arith.select %gt3A_491, %slice3A_486, %select_n3A_479 : vector<8x1024xi1>, vector<8x1024xf32>
    %broadcast_in_dim3A_493 = vector.broadcast %add3A_490 : i32 to vector<8x1024xi32>
    %select_n3A_494 = arith.select %gt3A_491, %broadcast_in_dim3A_493, %select_n3A_481 : vector<8x1024xi1>, vector<8x1024xi32>
    %lt3A_495 = arith.cmpf olt, %slice3A_486, %select_n3A_483 : vector<8x1024xf32>
    %select_n3A_496 = arith.select %lt3A_495, %slice3A_486, %select_n3A_483 : vector<8x1024xi1>, vector<8x1024xf32>
    %broadcast_in_dim3A_497 = vector.broadcast %add3A_490 : i32 to vector<8x1024xi32>
    %select_n3A_498 = arith.select %lt3A_495, %broadcast_in_dim3A_497, %select_n3A_485 : vector<8x1024xi1>, vector<8x1024xi32>
    %slice3A_499 = vector.extract_strided_slice %dot_general3A_12 {offsets = [296, 0], sizes = [8, 1024], strides = [1, 1]} : vector<1024x1024xf32> to vector<8x1024xf32>
    %mul3A_500 = arith.constant 128 : i32
    %mul3A_501 = arith.muli %arg0, %mul3A_500 : i32
    %add3A_502 = arith.constant 37 : i32
    %add3A_503 = arith.addi %mul3A_501, %add3A_502 : i32
    %gt3A_504 = arith.cmpf ogt, %slice3A_499, %select_n3A_492 : vector<8x1024xf32>
    %select_n3A_505 = arith.select %gt3A_504, %slice3A_499, %select_n3A_492 : vector<8x1024xi1>, vector<8x1024xf32>
    %broadcast_in_dim3A_506 = vector.broadcast %add3A_503 : i32 to vector<8x1024xi32>
    %select_n3A_507 = arith.select %gt3A_504, %broadcast_in_dim3A_506, %select_n3A_494 : vector<8x1024xi1>, vector<8x1024xi32>
    %lt3A_508 = arith.cmpf olt, %slice3A_499, %select_n3A_496 : vector<8x1024xf32>
    %select_n3A_509 = arith.select %lt3A_508, %slice3A_499, %select_n3A_496 : vector<8x1024xi1>, vector<8x1024xf32>
    %broadcast_in_dim3A_510 = vector.broadcast %add3A_503 : i32 to vector<8x1024xi32>
    %select_n3A_511 = arith.select %lt3A_508, %broadcast_in_dim3A_510, %select_n3A_498 : vector<8x1024xi1>, vector<8x1024xi32>
    %slice3A_512 = vector.extract_strided_slice %dot_general3A_12 {offsets = [304, 0], sizes = [8, 1024], strides = [1, 1]} : vector<1024x1024xf32> to vector<8x1024xf32>
    %mul3A_513 = arith.constant 128 : i32
    %mul3A_514 = arith.muli %arg0, %mul3A_513 : i32
    %add3A_515 = arith.constant 38 : i32
    %add3A_516 = arith.addi %mul3A_514, %add3A_515 : i32
    %gt3A_517 = arith.cmpf ogt, %slice3A_512, %select_n3A_505 : vector<8x1024xf32>
    %select_n3A_518 = arith.select %gt3A_517, %slice3A_512, %select_n3A_505 : vector<8x1024xi1>, vector<8x1024xf32>
    %broadcast_in_dim3A_519 = vector.broadcast %add3A_516 : i32 to vector<8x1024xi32>
    %select_n3A_520 = arith.select %gt3A_517, %broadcast_in_dim3A_519, %select_n3A_507 : vector<8x1024xi1>, vector<8x1024xi32>
    %lt3A_521 = arith.cmpf olt, %slice3A_512, %select_n3A_509 : vector<8x1024xf32>
    %select_n3A_522 = arith.select %lt3A_521, %slice3A_512, %select_n3A_509 : vector<8x1024xi1>, vector<8x1024xf32>
    %broadcast_in_dim3A_523 = vector.broadcast %add3A_516 : i32 to vector<8x1024xi32>
    %select_n3A_524 = arith.select %lt3A_521, %broadcast_in_dim3A_523, %select_n3A_511 : vector<8x1024xi1>, vector<8x1024xi32>
    %slice3A_525 = vector.extract_strided_slice %dot_general3A_12 {offsets = [312, 0], sizes = [8, 1024], strides = [1, 1]} : vector<1024x1024xf32> to vector<8x1024xf32>
    %mul3A_526 = arith.constant 128 : i32
    %mul3A_527 = arith.muli %arg0, %mul3A_526 : i32
    %add3A_528 = arith.constant 39 : i32
    %add3A_529 = arith.addi %mul3A_527, %add3A_528 : i32
    %gt3A_530 = arith.cmpf ogt, %slice3A_525, %select_n3A_518 : vector<8x1024xf32>
    %select_n3A_531 = arith.select %gt3A_530, %slice3A_525, %select_n3A_518 : vector<8x1024xi1>, vector<8x1024xf32>
    %broadcast_in_dim3A_532 = vector.broadcast %add3A_529 : i32 to vector<8x1024xi32>
    %select_n3A_533 = arith.select %gt3A_530, %broadcast_in_dim3A_532, %select_n3A_520 : vector<8x1024xi1>, vector<8x1024xi32>
    %lt3A_534 = arith.cmpf olt, %slice3A_525, %select_n3A_522 : vector<8x1024xf32>
    %select_n3A_535 = arith.select %lt3A_534, %slice3A_525, %select_n3A_522 : vector<8x1024xi1>, vector<8x1024xf32>
    %broadcast_in_dim3A_536 = vector.broadcast %add3A_529 : i32 to vector<8x1024xi32>
    %select_n3A_537 = arith.select %lt3A_534, %broadcast_in_dim3A_536, %select_n3A_524 : vector<8x1024xi1>, vector<8x1024xi32>
    %slice3A_538 = vector.extract_strided_slice %dot_general3A_12 {offsets = [320, 0], sizes = [8, 1024], strides = [1, 1]} : vector<1024x1024xf32> to vector<8x1024xf32>
    %mul3A_539 = arith.constant 128 : i32
    %mul3A_540 = arith.muli %arg0, %mul3A_539 : i32
    %add3A_541 = arith.constant 40 : i32
    %add3A_542 = arith.addi %mul3A_540, %add3A_541 : i32
    %gt3A_543 = arith.cmpf ogt, %slice3A_538, %select_n3A_531 : vector<8x1024xf32>
    %select_n3A_544 = arith.select %gt3A_543, %slice3A_538, %select_n3A_531 : vector<8x1024xi1>, vector<8x1024xf32>
    %broadcast_in_dim3A_545 = vector.broadcast %add3A_542 : i32 to vector<8x1024xi32>
    %select_n3A_546 = arith.select %gt3A_543, %broadcast_in_dim3A_545, %select_n3A_533 : vector<8x1024xi1>, vector<8x1024xi32>
    %lt3A_547 = arith.cmpf olt, %slice3A_538, %select_n3A_535 : vector<8x1024xf32>
    %select_n3A_548 = arith.select %lt3A_547, %slice3A_538, %select_n3A_535 : vector<8x1024xi1>, vector<8x1024xf32>
    %broadcast_in_dim3A_549 = vector.broadcast %add3A_542 : i32 to vector<8x1024xi32>
    %select_n3A_550 = arith.select %lt3A_547, %broadcast_in_dim3A_549, %select_n3A_537 : vector<8x1024xi1>, vector<8x1024xi32>
    %slice3A_551 = vector.extract_strided_slice %dot_general3A_12 {offsets = [328, 0], sizes = [8, 1024], strides = [1, 1]} : vector<1024x1024xf32> to vector<8x1024xf32>
    %mul3A_552 = arith.constant 128 : i32
    %mul3A_553 = arith.muli %arg0, %mul3A_552 : i32
    %add3A_554 = arith.constant 41 : i32
    %add3A_555 = arith.addi %mul3A_553, %add3A_554 : i32
    %gt3A_556 = arith.cmpf ogt, %slice3A_551, %select_n3A_544 : vector<8x1024xf32>
    %select_n3A_557 = arith.select %gt3A_556, %slice3A_551, %select_n3A_544 : vector<8x1024xi1>, vector<8x1024xf32>
    %broadcast_in_dim3A_558 = vector.broadcast %add3A_555 : i32 to vector<8x1024xi32>
    %select_n3A_559 = arith.select %gt3A_556, %broadcast_in_dim3A_558, %select_n3A_546 : vector<8x1024xi1>, vector<8x1024xi32>
    %lt3A_560 = arith.cmpf olt, %slice3A_551, %select_n3A_548 : vector<8x1024xf32>
    %select_n3A_561 = arith.select %lt3A_560, %slice3A_551, %select_n3A_548 : vector<8x1024xi1>, vector<8x1024xf32>
    %broadcast_in_dim3A_562 = vector.broadcast %add3A_555 : i32 to vector<8x1024xi32>
    %select_n3A_563 = arith.select %lt3A_560, %broadcast_in_dim3A_562, %select_n3A_550 : vector<8x1024xi1>, vector<8x1024xi32>
    %slice3A_564 = vector.extract_strided_slice %dot_general3A_12 {offsets = [336, 0], sizes = [8, 1024], strides = [1, 1]} : vector<1024x1024xf32> to vector<8x1024xf32>
    %mul3A_565 = arith.constant 128 : i32
    %mul3A_566 = arith.muli %arg0, %mul3A_565 : i32
    %add3A_567 = arith.constant 42 : i32
    %add3A_568 = arith.addi %mul3A_566, %add3A_567 : i32
    %gt3A_569 = arith.cmpf ogt, %slice3A_564, %select_n3A_557 : vector<8x1024xf32>
    %select_n3A_570 = arith.select %gt3A_569, %slice3A_564, %select_n3A_557 : vector<8x1024xi1>, vector<8x1024xf32>
    %broadcast_in_dim3A_571 = vector.broadcast %add3A_568 : i32 to vector<8x1024xi32>
    %select_n3A_572 = arith.select %gt3A_569, %broadcast_in_dim3A_571, %select_n3A_559 : vector<8x1024xi1>, vector<8x1024xi32>
    %lt3A_573 = arith.cmpf olt, %slice3A_564, %select_n3A_561 : vector<8x1024xf32>
    %select_n3A_574 = arith.select %lt3A_573, %slice3A_564, %select_n3A_561 : vector<8x1024xi1>, vector<8x1024xf32>
    %broadcast_in_dim3A_575 = vector.broadcast %add3A_568 : i32 to vector<8x1024xi32>
    %select_n3A_576 = arith.select %lt3A_573, %broadcast_in_dim3A_575, %select_n3A_563 : vector<8x1024xi1>, vector<8x1024xi32>
    %slice3A_577 = vector.extract_strided_slice %dot_general3A_12 {offsets = [344, 0], sizes = [8, 1024], strides = [1, 1]} : vector<1024x1024xf32> to vector<8x1024xf32>
    %mul3A_578 = arith.constant 128 : i32
    %mul3A_579 = arith.muli %arg0, %mul3A_578 : i32
    %add3A_580 = arith.constant 43 : i32
    %add3A_581 = arith.addi %mul3A_579, %add3A_580 : i32
    %gt3A_582 = arith.cmpf ogt, %slice3A_577, %select_n3A_570 : vector<8x1024xf32>
    %select_n3A_583 = arith.select %gt3A_582, %slice3A_577, %select_n3A_570 : vector<8x1024xi1>, vector<8x1024xf32>
    %broadcast_in_dim3A_584 = vector.broadcast %add3A_581 : i32 to vector<8x1024xi32>
    %select_n3A_585 = arith.select %gt3A_582, %broadcast_in_dim3A_584, %select_n3A_572 : vector<8x1024xi1>, vector<8x1024xi32>
    %lt3A_586 = arith.cmpf olt, %slice3A_577, %select_n3A_574 : vector<8x1024xf32>
    %select_n3A_587 = arith.select %lt3A_586, %slice3A_577, %select_n3A_574 : vector<8x1024xi1>, vector<8x1024xf32>
    %broadcast_in_dim3A_588 = vector.broadcast %add3A_581 : i32 to vector<8x1024xi32>
    %select_n3A_589 = arith.select %lt3A_586, %broadcast_in_dim3A_588, %select_n3A_576 : vector<8x1024xi1>, vector<8x1024xi32>
    %slice3A_590 = vector.extract_strided_slice %dot_general3A_12 {offsets = [352, 0], sizes = [8, 1024], strides = [1, 1]} : vector<1024x1024xf32> to vector<8x1024xf32>
    %mul3A_591 = arith.constant 128 : i32
    %mul3A_592 = arith.muli %arg0, %mul3A_591 : i32
    %add3A_593 = arith.constant 44 : i32
    %add3A_594 = arith.addi %mul3A_592, %add3A_593 : i32
    %gt3A_595 = arith.cmpf ogt, %slice3A_590, %select_n3A_583 : vector<8x1024xf32>
    %select_n3A_596 = arith.select %gt3A_595, %slice3A_590, %select_n3A_583 : vector<8x1024xi1>, vector<8x1024xf32>
    %broadcast_in_dim3A_597 = vector.broadcast %add3A_594 : i32 to vector<8x1024xi32>
    %select_n3A_598 = arith.select %gt3A_595, %broadcast_in_dim3A_597, %select_n3A_585 : vector<8x1024xi1>, vector<8x1024xi32>
    %lt3A_599 = arith.cmpf olt, %slice3A_590, %select_n3A_587 : vector<8x1024xf32>
    %select_n3A_600 = arith.select %lt3A_599, %slice3A_590, %select_n3A_587 : vector<8x1024xi1>, vector<8x1024xf32>
    %broadcast_in_dim3A_601 = vector.broadcast %add3A_594 : i32 to vector<8x1024xi32>
    %select_n3A_602 = arith.select %lt3A_599, %broadcast_in_dim3A_601, %select_n3A_589 : vector<8x1024xi1>, vector<8x1024xi32>
    %slice3A_603 = vector.extract_strided_slice %dot_general3A_12 {offsets = [360, 0], sizes = [8, 1024], strides = [1, 1]} : vector<1024x1024xf32> to vector<8x1024xf32>
    %mul3A_604 = arith.constant 128 : i32
    %mul3A_605 = arith.muli %arg0, %mul3A_604 : i32
    %add3A_606 = arith.constant 45 : i32
    %add3A_607 = arith.addi %mul3A_605, %add3A_606 : i32
    %gt3A_608 = arith.cmpf ogt, %slice3A_603, %select_n3A_596 : vector<8x1024xf32>
    %select_n3A_609 = arith.select %gt3A_608, %slice3A_603, %select_n3A_596 : vector<8x1024xi1>, vector<8x1024xf32>
    %broadcast_in_dim3A_610 = vector.broadcast %add3A_607 : i32 to vector<8x1024xi32>
    %select_n3A_611 = arith.select %gt3A_608, %broadcast_in_dim3A_610, %select_n3A_598 : vector<8x1024xi1>, vector<8x1024xi32>
    %lt3A_612 = arith.cmpf olt, %slice3A_603, %select_n3A_600 : vector<8x1024xf32>
    %select_n3A_613 = arith.select %lt3A_612, %slice3A_603, %select_n3A_600 : vector<8x1024xi1>, vector<8x1024xf32>
    %broadcast_in_dim3A_614 = vector.broadcast %add3A_607 : i32 to vector<8x1024xi32>
    %select_n3A_615 = arith.select %lt3A_612, %broadcast_in_dim3A_614, %select_n3A_602 : vector<8x1024xi1>, vector<8x1024xi32>
    %slice3A_616 = vector.extract_strided_slice %dot_general3A_12 {offsets = [368, 0], sizes = [8, 1024], strides = [1, 1]} : vector<1024x1024xf32> to vector<8x1024xf32>
    %mul3A_617 = arith.constant 128 : i32
    %mul3A_618 = arith.muli %arg0, %mul3A_617 : i32
    %add3A_619 = arith.constant 46 : i32
    %add3A_620 = arith.addi %mul3A_618, %add3A_619 : i32
    %gt3A_621 = arith.cmpf ogt, %slice3A_616, %select_n3A_609 : vector<8x1024xf32>
    %select_n3A_622 = arith.select %gt3A_621, %slice3A_616, %select_n3A_609 : vector<8x1024xi1>, vector<8x1024xf32>
    %broadcast_in_dim3A_623 = vector.broadcast %add3A_620 : i32 to vector<8x1024xi32>
    %select_n3A_624 = arith.select %gt3A_621, %broadcast_in_dim3A_623, %select_n3A_611 : vector<8x1024xi1>, vector<8x1024xi32>
    %lt3A_625 = arith.cmpf olt, %slice3A_616, %select_n3A_613 : vector<8x1024xf32>
    %select_n3A_626 = arith.select %lt3A_625, %slice3A_616, %select_n3A_613 : vector<8x1024xi1>, vector<8x1024xf32>
    %broadcast_in_dim3A_627 = vector.broadcast %add3A_620 : i32 to vector<8x1024xi32>
    %select_n3A_628 = arith.select %lt3A_625, %broadcast_in_dim3A_627, %select_n3A_615 : vector<8x1024xi1>, vector<8x1024xi32>
    %slice3A_629 = vector.extract_strided_slice %dot_general3A_12 {offsets = [376, 0], sizes = [8, 1024], strides = [1, 1]} : vector<1024x1024xf32> to vector<8x1024xf32>
    %mul3A_630 = arith.constant 128 : i32
    %mul3A_631 = arith.muli %arg0, %mul3A_630 : i32
    %add3A_632 = arith.constant 47 : i32
    %add3A_633 = arith.addi %mul3A_631, %add3A_632 : i32
    %gt3A_634 = arith.cmpf ogt, %slice3A_629, %select_n3A_622 : vector<8x1024xf32>
    %select_n3A_635 = arith.select %gt3A_634, %slice3A_629, %select_n3A_622 : vector<8x1024xi1>, vector<8x1024xf32>
    %broadcast_in_dim3A_636 = vector.broadcast %add3A_633 : i32 to vector<8x1024xi32>
    %select_n3A_637 = arith.select %gt3A_634, %broadcast_in_dim3A_636, %select_n3A_624 : vector<8x1024xi1>, vector<8x1024xi32>
    %lt3A_638 = arith.cmpf olt, %slice3A_629, %select_n3A_626 : vector<8x1024xf32>
    %select_n3A_639 = arith.select %lt3A_638, %slice3A_629, %select_n3A_626 : vector<8x1024xi1>, vector<8x1024xf32>
    %broadcast_in_dim3A_640 = vector.broadcast %add3A_633 : i32 to vector<8x1024xi32>
    %select_n3A_641 = arith.select %lt3A_638, %broadcast_in_dim3A_640, %select_n3A_628 : vector<8x1024xi1>, vector<8x1024xi32>
    %slice3A_642 = vector.extract_strided_slice %dot_general3A_12 {offsets = [384, 0], sizes = [8, 1024], strides = [1, 1]} : vector<1024x1024xf32> to vector<8x1024xf32>
    %mul3A_643 = arith.constant 128 : i32
    %mul3A_644 = arith.muli %arg0, %mul3A_643 : i32
    %add3A_645 = arith.constant 48 : i32
    %add3A_646 = arith.addi %mul3A_644, %add3A_645 : i32
    %gt3A_647 = arith.cmpf ogt, %slice3A_642, %select_n3A_635 : vector<8x1024xf32>
    %select_n3A_648 = arith.select %gt3A_647, %slice3A_642, %select_n3A_635 : vector<8x1024xi1>, vector<8x1024xf32>
    %broadcast_in_dim3A_649 = vector.broadcast %add3A_646 : i32 to vector<8x1024xi32>
    %select_n3A_650 = arith.select %gt3A_647, %broadcast_in_dim3A_649, %select_n3A_637 : vector<8x1024xi1>, vector<8x1024xi32>
    %lt3A_651 = arith.cmpf olt, %slice3A_642, %select_n3A_639 : vector<8x1024xf32>
    %select_n3A_652 = arith.select %lt3A_651, %slice3A_642, %select_n3A_639 : vector<8x1024xi1>, vector<8x1024xf32>
    %broadcast_in_dim3A_653 = vector.broadcast %add3A_646 : i32 to vector<8x1024xi32>
    %select_n3A_654 = arith.select %lt3A_651, %broadcast_in_dim3A_653, %select_n3A_641 : vector<8x1024xi1>, vector<8x1024xi32>
    %slice3A_655 = vector.extract_strided_slice %dot_general3A_12 {offsets = [392, 0], sizes = [8, 1024], strides = [1, 1]} : vector<1024x1024xf32> to vector<8x1024xf32>
    %mul3A_656 = arith.constant 128 : i32
    %mul3A_657 = arith.muli %arg0, %mul3A_656 : i32
    %add3A_658 = arith.constant 49 : i32
    %add3A_659 = arith.addi %mul3A_657, %add3A_658 : i32
    %gt3A_660 = arith.cmpf ogt, %slice3A_655, %select_n3A_648 : vector<8x1024xf32>
    %select_n3A_661 = arith.select %gt3A_660, %slice3A_655, %select_n3A_648 : vector<8x1024xi1>, vector<8x1024xf32>
    %broadcast_in_dim3A_662 = vector.broadcast %add3A_659 : i32 to vector<8x1024xi32>
    %select_n3A_663 = arith.select %gt3A_660, %broadcast_in_dim3A_662, %select_n3A_650 : vector<8x1024xi1>, vector<8x1024xi32>
    %lt3A_664 = arith.cmpf olt, %slice3A_655, %select_n3A_652 : vector<8x1024xf32>
    %select_n3A_665 = arith.select %lt3A_664, %slice3A_655, %select_n3A_652 : vector<8x1024xi1>, vector<8x1024xf32>
    %broadcast_in_dim3A_666 = vector.broadcast %add3A_659 : i32 to vector<8x1024xi32>
    %select_n3A_667 = arith.select %lt3A_664, %broadcast_in_dim3A_666, %select_n3A_654 : vector<8x1024xi1>, vector<8x1024xi32>
    %slice3A_668 = vector.extract_strided_slice %dot_general3A_12 {offsets = [400, 0], sizes = [8, 1024], strides = [1, 1]} : vector<1024x1024xf32> to vector<8x1024xf32>
    %mul3A_669 = arith.constant 128 : i32
    %mul3A_670 = arith.muli %arg0, %mul3A_669 : i32
    %add3A_671 = arith.constant 50 : i32
    %add3A_672 = arith.addi %mul3A_670, %add3A_671 : i32
    %gt3A_673 = arith.cmpf ogt, %slice3A_668, %select_n3A_661 : vector<8x1024xf32>
    %select_n3A_674 = arith.select %gt3A_673, %slice3A_668, %select_n3A_661 : vector<8x1024xi1>, vector<8x1024xf32>
    %broadcast_in_dim3A_675 = vector.broadcast %add3A_672 : i32 to vector<8x1024xi32>
    %select_n3A_676 = arith.select %gt3A_673, %broadcast_in_dim3A_675, %select_n3A_663 : vector<8x1024xi1>, vector<8x1024xi32>
    %lt3A_677 = arith.cmpf olt, %slice3A_668, %select_n3A_665 : vector<8x1024xf32>
    %select_n3A_678 = arith.select %lt3A_677, %slice3A_668, %select_n3A_665 : vector<8x1024xi1>, vector<8x1024xf32>
    %broadcast_in_dim3A_679 = vector.broadcast %add3A_672 : i32 to vector<8x1024xi32>
    %select_n3A_680 = arith.select %lt3A_677, %broadcast_in_dim3A_679, %select_n3A_667 : vector<8x1024xi1>, vector<8x1024xi32>
    %slice3A_681 = vector.extract_strided_slice %dot_general3A_12 {offsets = [408, 0], sizes = [8, 1024], strides = [1, 1]} : vector<1024x1024xf32> to vector<8x1024xf32>
    %mul3A_682 = arith.constant 128 : i32
    %mul3A_683 = arith.muli %arg0, %mul3A_682 : i32
    %add3A_684 = arith.constant 51 : i32
    %add3A_685 = arith.addi %mul3A_683, %add3A_684 : i32
    %gt3A_686 = arith.cmpf ogt, %slice3A_681, %select_n3A_674 : vector<8x1024xf32>
    %select_n3A_687 = arith.select %gt3A_686, %slice3A_681, %select_n3A_674 : vector<8x1024xi1>, vector<8x1024xf32>
    %broadcast_in_dim3A_688 = vector.broadcast %add3A_685 : i32 to vector<8x1024xi32>
    %select_n3A_689 = arith.select %gt3A_686, %broadcast_in_dim3A_688, %select_n3A_676 : vector<8x1024xi1>, vector<8x1024xi32>
    %lt3A_690 = arith.cmpf olt, %slice3A_681, %select_n3A_678 : vector<8x1024xf32>
    %select_n3A_691 = arith.select %lt3A_690, %slice3A_681, %select_n3A_678 : vector<8x1024xi1>, vector<8x1024xf32>
    %broadcast_in_dim3A_692 = vector.broadcast %add3A_685 : i32 to vector<8x1024xi32>
    %select_n3A_693 = arith.select %lt3A_690, %broadcast_in_dim3A_692, %select_n3A_680 : vector<8x1024xi1>, vector<8x1024xi32>
    %slice3A_694 = vector.extract_strided_slice %dot_general3A_12 {offsets = [416, 0], sizes = [8, 1024], strides = [1, 1]} : vector<1024x1024xf32> to vector<8x1024xf32>
    %mul3A_695 = arith.constant 128 : i32
    %mul3A_696 = arith.muli %arg0, %mul3A_695 : i32
    %add3A_697 = arith.constant 52 : i32
    %add3A_698 = arith.addi %mul3A_696, %add3A_697 : i32
    %gt3A_699 = arith.cmpf ogt, %slice3A_694, %select_n3A_687 : vector<8x1024xf32>
    %select_n3A_700 = arith.select %gt3A_699, %slice3A_694, %select_n3A_687 : vector<8x1024xi1>, vector<8x1024xf32>
    %broadcast_in_dim3A_701 = vector.broadcast %add3A_698 : i32 to vector<8x1024xi32>
    %select_n3A_702 = arith.select %gt3A_699, %broadcast_in_dim3A_701, %select_n3A_689 : vector<8x1024xi1>, vector<8x1024xi32>
    %lt3A_703 = arith.cmpf olt, %slice3A_694, %select_n3A_691 : vector<8x1024xf32>
    %select_n3A_704 = arith.select %lt3A_703, %slice3A_694, %select_n3A_691 : vector<8x1024xi1>, vector<8x1024xf32>
    %broadcast_in_dim3A_705 = vector.broadcast %add3A_698 : i32 to vector<8x1024xi32>
    %select_n3A_706 = arith.select %lt3A_703, %broadcast_in_dim3A_705, %select_n3A_693 : vector<8x1024xi1>, vector<8x1024xi32>
    %slice3A_707 = vector.extract_strided_slice %dot_general3A_12 {offsets = [424, 0], sizes = [8, 1024], strides = [1, 1]} : vector<1024x1024xf32> to vector<8x1024xf32>
    %mul3A_708 = arith.constant 128 : i32
    %mul3A_709 = arith.muli %arg0, %mul3A_708 : i32
    %add3A_710 = arith.constant 53 : i32
    %add3A_711 = arith.addi %mul3A_709, %add3A_710 : i32
    %gt3A_712 = arith.cmpf ogt, %slice3A_707, %select_n3A_700 : vector<8x1024xf32>
    %select_n3A_713 = arith.select %gt3A_712, %slice3A_707, %select_n3A_700 : vector<8x1024xi1>, vector<8x1024xf32>
    %broadcast_in_dim3A_714 = vector.broadcast %add3A_711 : i32 to vector<8x1024xi32>
    %select_n3A_715 = arith.select %gt3A_712, %broadcast_in_dim3A_714, %select_n3A_702 : vector<8x1024xi1>, vector<8x1024xi32>
    %lt3A_716 = arith.cmpf olt, %slice3A_707, %select_n3A_704 : vector<8x1024xf32>
    %select_n3A_717 = arith.select %lt3A_716, %slice3A_707, %select_n3A_704 : vector<8x1024xi1>, vector<8x1024xf32>
    %broadcast_in_dim3A_718 = vector.broadcast %add3A_711 : i32 to vector<8x1024xi32>
    %select_n3A_719 = arith.select %lt3A_716, %broadcast_in_dim3A_718, %select_n3A_706 : vector<8x1024xi1>, vector<8x1024xi32>
    %slice3A_720 = vector.extract_strided_slice %dot_general3A_12 {offsets = [432, 0], sizes = [8, 1024], strides = [1, 1]} : vector<1024x1024xf32> to vector<8x1024xf32>
    %mul3A_721 = arith.constant 128 : i32
    %mul3A_722 = arith.muli %arg0, %mul3A_721 : i32
    %add3A_723 = arith.constant 54 : i32
    %add3A_724 = arith.addi %mul3A_722, %add3A_723 : i32
    %gt3A_725 = arith.cmpf ogt, %slice3A_720, %select_n3A_713 : vector<8x1024xf32>
    %select_n3A_726 = arith.select %gt3A_725, %slice3A_720, %select_n3A_713 : vector<8x1024xi1>, vector<8x1024xf32>
    %broadcast_in_dim3A_727 = vector.broadcast %add3A_724 : i32 to vector<8x1024xi32>
    %select_n3A_728 = arith.select %gt3A_725, %broadcast_in_dim3A_727, %select_n3A_715 : vector<8x1024xi1>, vector<8x1024xi32>
    %lt3A_729 = arith.cmpf olt, %slice3A_720, %select_n3A_717 : vector<8x1024xf32>
    %select_n3A_730 = arith.select %lt3A_729, %slice3A_720, %select_n3A_717 : vector<8x1024xi1>, vector<8x1024xf32>
    %broadcast_in_dim3A_731 = vector.broadcast %add3A_724 : i32 to vector<8x1024xi32>
    %select_n3A_732 = arith.select %lt3A_729, %broadcast_in_dim3A_731, %select_n3A_719 : vector<8x1024xi1>, vector<8x1024xi32>
    %slice3A_733 = vector.extract_strided_slice %dot_general3A_12 {offsets = [440, 0], sizes = [8, 1024], strides = [1, 1]} : vector<1024x1024xf32> to vector<8x1024xf32>
    %mul3A_734 = arith.constant 128 : i32
    %mul3A_735 = arith.muli %arg0, %mul3A_734 : i32
    %add3A_736 = arith.constant 55 : i32
    %add3A_737 = arith.addi %mul3A_735, %add3A_736 : i32
    %gt3A_738 = arith.cmpf ogt, %slice3A_733, %select_n3A_726 : vector<8x1024xf32>
    %select_n3A_739 = arith.select %gt3A_738, %slice3A_733, %select_n3A_726 : vector<8x1024xi1>, vector<8x1024xf32>
    %broadcast_in_dim3A_740 = vector.broadcast %add3A_737 : i32 to vector<8x1024xi32>
    %select_n3A_741 = arith.select %gt3A_738, %broadcast_in_dim3A_740, %select_n3A_728 : vector<8x1024xi1>, vector<8x1024xi32>
    %lt3A_742 = arith.cmpf olt, %slice3A_733, %select_n3A_730 : vector<8x1024xf32>
    %select_n3A_743 = arith.select %lt3A_742, %slice3A_733, %select_n3A_730 : vector<8x1024xi1>, vector<8x1024xf32>
    %broadcast_in_dim3A_744 = vector.broadcast %add3A_737 : i32 to vector<8x1024xi32>
    %select_n3A_745 = arith.select %lt3A_742, %broadcast_in_dim3A_744, %select_n3A_732 : vector<8x1024xi1>, vector<8x1024xi32>
    %slice3A_746 = vector.extract_strided_slice %dot_general3A_12 {offsets = [448, 0], sizes = [8, 1024], strides = [1, 1]} : vector<1024x1024xf32> to vector<8x1024xf32>
    %mul3A_747 = arith.constant 128 : i32
    %mul3A_748 = arith.muli %arg0, %mul3A_747 : i32
    %add3A_749 = arith.constant 56 : i32
    %add3A_750 = arith.addi %mul3A_748, %add3A_749 : i32
    %gt3A_751 = arith.cmpf ogt, %slice3A_746, %select_n3A_739 : vector<8x1024xf32>
    %select_n3A_752 = arith.select %gt3A_751, %slice3A_746, %select_n3A_739 : vector<8x1024xi1>, vector<8x1024xf32>
    %broadcast_in_dim3A_753 = vector.broadcast %add3A_750 : i32 to vector<8x1024xi32>
    %select_n3A_754 = arith.select %gt3A_751, %broadcast_in_dim3A_753, %select_n3A_741 : vector<8x1024xi1>, vector<8x1024xi32>
    %lt3A_755 = arith.cmpf olt, %slice3A_746, %select_n3A_743 : vector<8x1024xf32>
    %select_n3A_756 = arith.select %lt3A_755, %slice3A_746, %select_n3A_743 : vector<8x1024xi1>, vector<8x1024xf32>
    %broadcast_in_dim3A_757 = vector.broadcast %add3A_750 : i32 to vector<8x1024xi32>
    %select_n3A_758 = arith.select %lt3A_755, %broadcast_in_dim3A_757, %select_n3A_745 : vector<8x1024xi1>, vector<8x1024xi32>
    %slice3A_759 = vector.extract_strided_slice %dot_general3A_12 {offsets = [456, 0], sizes = [8, 1024], strides = [1, 1]} : vector<1024x1024xf32> to vector<8x1024xf32>
    %mul3A_760 = arith.constant 128 : i32
    %mul3A_761 = arith.muli %arg0, %mul3A_760 : i32
    %add3A_762 = arith.constant 57 : i32
    %add3A_763 = arith.addi %mul3A_761, %add3A_762 : i32
    %gt3A_764 = arith.cmpf ogt, %slice3A_759, %select_n3A_752 : vector<8x1024xf32>
    %select_n3A_765 = arith.select %gt3A_764, %slice3A_759, %select_n3A_752 : vector<8x1024xi1>, vector<8x1024xf32>
    %broadcast_in_dim3A_766 = vector.broadcast %add3A_763 : i32 to vector<8x1024xi32>
    %select_n3A_767 = arith.select %gt3A_764, %broadcast_in_dim3A_766, %select_n3A_754 : vector<8x1024xi1>, vector<8x1024xi32>
    %lt3A_768 = arith.cmpf olt, %slice3A_759, %select_n3A_756 : vector<8x1024xf32>
    %select_n3A_769 = arith.select %lt3A_768, %slice3A_759, %select_n3A_756 : vector<8x1024xi1>, vector<8x1024xf32>
    %broadcast_in_dim3A_770 = vector.broadcast %add3A_763 : i32 to vector<8x1024xi32>
    %select_n3A_771 = arith.select %lt3A_768, %broadcast_in_dim3A_770, %select_n3A_758 : vector<8x1024xi1>, vector<8x1024xi32>
    %slice3A_772 = vector.extract_strided_slice %dot_general3A_12 {offsets = [464, 0], sizes = [8, 1024], strides = [1, 1]} : vector<1024x1024xf32> to vector<8x1024xf32>
    %mul3A_773 = arith.constant 128 : i32
    %mul3A_774 = arith.muli %arg0, %mul3A_773 : i32
    %add3A_775 = arith.constant 58 : i32
    %add3A_776 = arith.addi %mul3A_774, %add3A_775 : i32
    %gt3A_777 = arith.cmpf ogt, %slice3A_772, %select_n3A_765 : vector<8x1024xf32>
    %select_n3A_778 = arith.select %gt3A_777, %slice3A_772, %select_n3A_765 : vector<8x1024xi1>, vector<8x1024xf32>
    %broadcast_in_dim3A_779 = vector.broadcast %add3A_776 : i32 to vector<8x1024xi32>
    %select_n3A_780 = arith.select %gt3A_777, %broadcast_in_dim3A_779, %select_n3A_767 : vector<8x1024xi1>, vector<8x1024xi32>
    %lt3A_781 = arith.cmpf olt, %slice3A_772, %select_n3A_769 : vector<8x1024xf32>
    %select_n3A_782 = arith.select %lt3A_781, %slice3A_772, %select_n3A_769 : vector<8x1024xi1>, vector<8x1024xf32>
    %broadcast_in_dim3A_783 = vector.broadcast %add3A_776 : i32 to vector<8x1024xi32>
    %select_n3A_784 = arith.select %lt3A_781, %broadcast_in_dim3A_783, %select_n3A_771 : vector<8x1024xi1>, vector<8x1024xi32>
    %slice3A_785 = vector.extract_strided_slice %dot_general3A_12 {offsets = [472, 0], sizes = [8, 1024], strides = [1, 1]} : vector<1024x1024xf32> to vector<8x1024xf32>
    %mul3A_786 = arith.constant 128 : i32
    %mul3A_787 = arith.muli %arg0, %mul3A_786 : i32
    %add3A_788 = arith.constant 59 : i32
    %add3A_789 = arith.addi %mul3A_787, %add3A_788 : i32
    %gt3A_790 = arith.cmpf ogt, %slice3A_785, %select_n3A_778 : vector<8x1024xf32>
    %select_n3A_791 = arith.select %gt3A_790, %slice3A_785, %select_n3A_778 : vector<8x1024xi1>, vector<8x1024xf32>
    %broadcast_in_dim3A_792 = vector.broadcast %add3A_789 : i32 to vector<8x1024xi32>
    %select_n3A_793 = arith.select %gt3A_790, %broadcast_in_dim3A_792, %select_n3A_780 : vector<8x1024xi1>, vector<8x1024xi32>
    %lt3A_794 = arith.cmpf olt, %slice3A_785, %select_n3A_782 : vector<8x1024xf32>
    %select_n3A_795 = arith.select %lt3A_794, %slice3A_785, %select_n3A_782 : vector<8x1024xi1>, vector<8x1024xf32>
    %broadcast_in_dim3A_796 = vector.broadcast %add3A_789 : i32 to vector<8x1024xi32>
    %select_n3A_797 = arith.select %lt3A_794, %broadcast_in_dim3A_796, %select_n3A_784 : vector<8x1024xi1>, vector<8x1024xi32>
    %slice3A_798 = vector.extract_strided_slice %dot_general3A_12 {offsets = [480, 0], sizes = [8, 1024], strides = [1, 1]} : vector<1024x1024xf32> to vector<8x1024xf32>
    %mul3A_799 = arith.constant 128 : i32
    %mul3A_800 = arith.muli %arg0, %mul3A_799 : i32
    %add3A_801 = arith.constant 60 : i32
    %add3A_802 = arith.addi %mul3A_800, %add3A_801 : i32
    %gt3A_803 = arith.cmpf ogt, %slice3A_798, %select_n3A_791 : vector<8x1024xf32>
    %select_n3A_804 = arith.select %gt3A_803, %slice3A_798, %select_n3A_791 : vector<8x1024xi1>, vector<8x1024xf32>
    %broadcast_in_dim3A_805 = vector.broadcast %add3A_802 : i32 to vector<8x1024xi32>
    %select_n3A_806 = arith.select %gt3A_803, %broadcast_in_dim3A_805, %select_n3A_793 : vector<8x1024xi1>, vector<8x1024xi32>
    %lt3A_807 = arith.cmpf olt, %slice3A_798, %select_n3A_795 : vector<8x1024xf32>
    %select_n3A_808 = arith.select %lt3A_807, %slice3A_798, %select_n3A_795 : vector<8x1024xi1>, vector<8x1024xf32>
    %broadcast_in_dim3A_809 = vector.broadcast %add3A_802 : i32 to vector<8x1024xi32>
    %select_n3A_810 = arith.select %lt3A_807, %broadcast_in_dim3A_809, %select_n3A_797 : vector<8x1024xi1>, vector<8x1024xi32>
    %slice3A_811 = vector.extract_strided_slice %dot_general3A_12 {offsets = [488, 0], sizes = [8, 1024], strides = [1, 1]} : vector<1024x1024xf32> to vector<8x1024xf32>
    %mul3A_812 = arith.constant 128 : i32
    %mul3A_813 = arith.muli %arg0, %mul3A_812 : i32
    %add3A_814 = arith.constant 61 : i32
    %add3A_815 = arith.addi %mul3A_813, %add3A_814 : i32
    %gt3A_816 = arith.cmpf ogt, %slice3A_811, %select_n3A_804 : vector<8x1024xf32>
    %select_n3A_817 = arith.select %gt3A_816, %slice3A_811, %select_n3A_804 : vector<8x1024xi1>, vector<8x1024xf32>
    %broadcast_in_dim3A_818 = vector.broadcast %add3A_815 : i32 to vector<8x1024xi32>
    %select_n3A_819 = arith.select %gt3A_816, %broadcast_in_dim3A_818, %select_n3A_806 : vector<8x1024xi1>, vector<8x1024xi32>
    %lt3A_820 = arith.cmpf olt, %slice3A_811, %select_n3A_808 : vector<8x1024xf32>
    %select_n3A_821 = arith.select %lt3A_820, %slice3A_811, %select_n3A_808 : vector<8x1024xi1>, vector<8x1024xf32>
    %broadcast_in_dim3A_822 = vector.broadcast %add3A_815 : i32 to vector<8x1024xi32>
    %select_n3A_823 = arith.select %lt3A_820, %broadcast_in_dim3A_822, %select_n3A_810 : vector<8x1024xi1>, vector<8x1024xi32>
    %slice3A_824 = vector.extract_strided_slice %dot_general3A_12 {offsets = [496, 0], sizes = [8, 1024], strides = [1, 1]} : vector<1024x1024xf32> to vector<8x1024xf32>
    %mul3A_825 = arith.constant 128 : i32
    %mul3A_826 = arith.muli %arg0, %mul3A_825 : i32
    %add3A_827 = arith.constant 62 : i32
    %add3A_828 = arith.addi %mul3A_826, %add3A_827 : i32
    %gt3A_829 = arith.cmpf ogt, %slice3A_824, %select_n3A_817 : vector<8x1024xf32>
    %select_n3A_830 = arith.select %gt3A_829, %slice3A_824, %select_n3A_817 : vector<8x1024xi1>, vector<8x1024xf32>
    %broadcast_in_dim3A_831 = vector.broadcast %add3A_828 : i32 to vector<8x1024xi32>
    %select_n3A_832 = arith.select %gt3A_829, %broadcast_in_dim3A_831, %select_n3A_819 : vector<8x1024xi1>, vector<8x1024xi32>
    %lt3A_833 = arith.cmpf olt, %slice3A_824, %select_n3A_821 : vector<8x1024xf32>
    %select_n3A_834 = arith.select %lt3A_833, %slice3A_824, %select_n3A_821 : vector<8x1024xi1>, vector<8x1024xf32>
    %broadcast_in_dim3A_835 = vector.broadcast %add3A_828 : i32 to vector<8x1024xi32>
    %select_n3A_836 = arith.select %lt3A_833, %broadcast_in_dim3A_835, %select_n3A_823 : vector<8x1024xi1>, vector<8x1024xi32>
    %slice3A_837 = vector.extract_strided_slice %dot_general3A_12 {offsets = [504, 0], sizes = [8, 1024], strides = [1, 1]} : vector<1024x1024xf32> to vector<8x1024xf32>
    %mul3A_838 = arith.constant 128 : i32
    %mul3A_839 = arith.muli %arg0, %mul3A_838 : i32
    %add3A_840 = arith.constant 63 : i32
    %add3A_841 = arith.addi %mul3A_839, %add3A_840 : i32
    %gt3A_842 = arith.cmpf ogt, %slice3A_837, %select_n3A_830 : vector<8x1024xf32>
    %select_n3A_843 = arith.select %gt3A_842, %slice3A_837, %select_n3A_830 : vector<8x1024xi1>, vector<8x1024xf32>
    %broadcast_in_dim3A_844 = vector.broadcast %add3A_841 : i32 to vector<8x1024xi32>
    %select_n3A_845 = arith.select %gt3A_842, %broadcast_in_dim3A_844, %select_n3A_832 : vector<8x1024xi1>, vector<8x1024xi32>
    %lt3A_846 = arith.cmpf olt, %slice3A_837, %select_n3A_834 : vector<8x1024xf32>
    %select_n3A_847 = arith.select %lt3A_846, %slice3A_837, %select_n3A_834 : vector<8x1024xi1>, vector<8x1024xf32>
    %broadcast_in_dim3A_848 = vector.broadcast %add3A_841 : i32 to vector<8x1024xi32>
    %select_n3A_849 = arith.select %lt3A_846, %broadcast_in_dim3A_848, %select_n3A_836 : vector<8x1024xi1>, vector<8x1024xi32>
    %slice3A_850 = vector.extract_strided_slice %dot_general3A_12 {offsets = [512, 0], sizes = [8, 1024], strides = [1, 1]} : vector<1024x1024xf32> to vector<8x1024xf32>
    %mul3A_851 = arith.constant 128 : i32
    %mul3A_852 = arith.muli %arg0, %mul3A_851 : i32
    %add3A_853 = arith.constant 64 : i32
    %add3A_854 = arith.addi %mul3A_852, %add3A_853 : i32
    %gt3A_855 = arith.cmpf ogt, %slice3A_850, %select_n3A_843 : vector<8x1024xf32>
    %select_n3A_856 = arith.select %gt3A_855, %slice3A_850, %select_n3A_843 : vector<8x1024xi1>, vector<8x1024xf32>
    %broadcast_in_dim3A_857 = vector.broadcast %add3A_854 : i32 to vector<8x1024xi32>
    %select_n3A_858 = arith.select %gt3A_855, %broadcast_in_dim3A_857, %select_n3A_845 : vector<8x1024xi1>, vector<8x1024xi32>
    %lt3A_859 = arith.cmpf olt, %slice3A_850, %select_n3A_847 : vector<8x1024xf32>
    %select_n3A_860 = arith.select %lt3A_859, %slice3A_850, %select_n3A_847 : vector<8x1024xi1>, vector<8x1024xf32>
    %broadcast_in_dim3A_861 = vector.broadcast %add3A_854 : i32 to vector<8x1024xi32>
    %select_n3A_862 = arith.select %lt3A_859, %broadcast_in_dim3A_861, %select_n3A_849 : vector<8x1024xi1>, vector<8x1024xi32>
    %slice3A_863 = vector.extract_strided_slice %dot_general3A_12 {offsets = [520, 0], sizes = [8, 1024], strides = [1, 1]} : vector<1024x1024xf32> to vector<8x1024xf32>
    %mul3A_864 = arith.constant 128 : i32
    %mul3A_865 = arith.muli %arg0, %mul3A_864 : i32
    %add3A_866 = arith.constant 65 : i32
    %add3A_867 = arith.addi %mul3A_865, %add3A_866 : i32
    %gt3A_868 = arith.cmpf ogt, %slice3A_863, %select_n3A_856 : vector<8x1024xf32>
    %select_n3A_869 = arith.select %gt3A_868, %slice3A_863, %select_n3A_856 : vector<8x1024xi1>, vector<8x1024xf32>
    %broadcast_in_dim3A_870 = vector.broadcast %add3A_867 : i32 to vector<8x1024xi32>
    %select_n3A_871 = arith.select %gt3A_868, %broadcast_in_dim3A_870, %select_n3A_858 : vector<8x1024xi1>, vector<8x1024xi32>
    %lt3A_872 = arith.cmpf olt, %slice3A_863, %select_n3A_860 : vector<8x1024xf32>
    %select_n3A_873 = arith.select %lt3A_872, %slice3A_863, %select_n3A_860 : vector<8x1024xi1>, vector<8x1024xf32>
    %broadcast_in_dim3A_874 = vector.broadcast %add3A_867 : i32 to vector<8x1024xi32>
    %select_n3A_875 = arith.select %lt3A_872, %broadcast_in_dim3A_874, %select_n3A_862 : vector<8x1024xi1>, vector<8x1024xi32>
    %slice3A_876 = vector.extract_strided_slice %dot_general3A_12 {offsets = [528, 0], sizes = [8, 1024], strides = [1, 1]} : vector<1024x1024xf32> to vector<8x1024xf32>
    %mul3A_877 = arith.constant 128 : i32
    %mul3A_878 = arith.muli %arg0, %mul3A_877 : i32
    %add3A_879 = arith.constant 66 : i32
    %add3A_880 = arith.addi %mul3A_878, %add3A_879 : i32
    %gt3A_881 = arith.cmpf ogt, %slice3A_876, %select_n3A_869 : vector<8x1024xf32>
    %select_n3A_882 = arith.select %gt3A_881, %slice3A_876, %select_n3A_869 : vector<8x1024xi1>, vector<8x1024xf32>
    %broadcast_in_dim3A_883 = vector.broadcast %add3A_880 : i32 to vector<8x1024xi32>
    %select_n3A_884 = arith.select %gt3A_881, %broadcast_in_dim3A_883, %select_n3A_871 : vector<8x1024xi1>, vector<8x1024xi32>
    %lt3A_885 = arith.cmpf olt, %slice3A_876, %select_n3A_873 : vector<8x1024xf32>
    %select_n3A_886 = arith.select %lt3A_885, %slice3A_876, %select_n3A_873 : vector<8x1024xi1>, vector<8x1024xf32>
    %broadcast_in_dim3A_887 = vector.broadcast %add3A_880 : i32 to vector<8x1024xi32>
    %select_n3A_888 = arith.select %lt3A_885, %broadcast_in_dim3A_887, %select_n3A_875 : vector<8x1024xi1>, vector<8x1024xi32>
    %slice3A_889 = vector.extract_strided_slice %dot_general3A_12 {offsets = [536, 0], sizes = [8, 1024], strides = [1, 1]} : vector<1024x1024xf32> to vector<8x1024xf32>
    %mul3A_890 = arith.constant 128 : i32
    %mul3A_891 = arith.muli %arg0, %mul3A_890 : i32
    %add3A_892 = arith.constant 67 : i32
    %add3A_893 = arith.addi %mul3A_891, %add3A_892 : i32
    %gt3A_894 = arith.cmpf ogt, %slice3A_889, %select_n3A_882 : vector<8x1024xf32>
    %select_n3A_895 = arith.select %gt3A_894, %slice3A_889, %select_n3A_882 : vector<8x1024xi1>, vector<8x1024xf32>
    %broadcast_in_dim3A_896 = vector.broadcast %add3A_893 : i32 to vector<8x1024xi32>
    %select_n3A_897 = arith.select %gt3A_894, %broadcast_in_dim3A_896, %select_n3A_884 : vector<8x1024xi1>, vector<8x1024xi32>
    %lt3A_898 = arith.cmpf olt, %slice3A_889, %select_n3A_886 : vector<8x1024xf32>
    %select_n3A_899 = arith.select %lt3A_898, %slice3A_889, %select_n3A_886 : vector<8x1024xi1>, vector<8x1024xf32>
    %broadcast_in_dim3A_900 = vector.broadcast %add3A_893 : i32 to vector<8x1024xi32>
    %select_n3A_901 = arith.select %lt3A_898, %broadcast_in_dim3A_900, %select_n3A_888 : vector<8x1024xi1>, vector<8x1024xi32>
    %slice3A_902 = vector.extract_strided_slice %dot_general3A_12 {offsets = [544, 0], sizes = [8, 1024], strides = [1, 1]} : vector<1024x1024xf32> to vector<8x1024xf32>
    %mul3A_903 = arith.constant 128 : i32
    %mul3A_904 = arith.muli %arg0, %mul3A_903 : i32
    %add3A_905 = arith.constant 68 : i32
    %add3A_906 = arith.addi %mul3A_904, %add3A_905 : i32
    %gt3A_907 = arith.cmpf ogt, %slice3A_902, %select_n3A_895 : vector<8x1024xf32>
    %select_n3A_908 = arith.select %gt3A_907, %slice3A_902, %select_n3A_895 : vector<8x1024xi1>, vector<8x1024xf32>
    %broadcast_in_dim3A_909 = vector.broadcast %add3A_906 : i32 to vector<8x1024xi32>
    %select_n3A_910 = arith.select %gt3A_907, %broadcast_in_dim3A_909, %select_n3A_897 : vector<8x1024xi1>, vector<8x1024xi32>
    %lt3A_911 = arith.cmpf olt, %slice3A_902, %select_n3A_899 : vector<8x1024xf32>
    %select_n3A_912 = arith.select %lt3A_911, %slice3A_902, %select_n3A_899 : vector<8x1024xi1>, vector<8x1024xf32>
    %broadcast_in_dim3A_913 = vector.broadcast %add3A_906 : i32 to vector<8x1024xi32>
    %select_n3A_914 = arith.select %lt3A_911, %broadcast_in_dim3A_913, %select_n3A_901 : vector<8x1024xi1>, vector<8x1024xi32>
    %slice3A_915 = vector.extract_strided_slice %dot_general3A_12 {offsets = [552, 0], sizes = [8, 1024], strides = [1, 1]} : vector<1024x1024xf32> to vector<8x1024xf32>
    %mul3A_916 = arith.constant 128 : i32
    %mul3A_917 = arith.muli %arg0, %mul3A_916 : i32
    %add3A_918 = arith.constant 69 : i32
    %add3A_919 = arith.addi %mul3A_917, %add3A_918 : i32
    %gt3A_920 = arith.cmpf ogt, %slice3A_915, %select_n3A_908 : vector<8x1024xf32>
    %select_n3A_921 = arith.select %gt3A_920, %slice3A_915, %select_n3A_908 : vector<8x1024xi1>, vector<8x1024xf32>
    %broadcast_in_dim3A_922 = vector.broadcast %add3A_919 : i32 to vector<8x1024xi32>
    %select_n3A_923 = arith.select %gt3A_920, %broadcast_in_dim3A_922, %select_n3A_910 : vector<8x1024xi1>, vector<8x1024xi32>
    %lt3A_924 = arith.cmpf olt, %slice3A_915, %select_n3A_912 : vector<8x1024xf32>
    %select_n3A_925 = arith.select %lt3A_924, %slice3A_915, %select_n3A_912 : vector<8x1024xi1>, vector<8x1024xf32>
    %broadcast_in_dim3A_926 = vector.broadcast %add3A_919 : i32 to vector<8x1024xi32>
    %select_n3A_927 = arith.select %lt3A_924, %broadcast_in_dim3A_926, %select_n3A_914 : vector<8x1024xi1>, vector<8x1024xi32>
    %slice3A_928 = vector.extract_strided_slice %dot_general3A_12 {offsets = [560, 0], sizes = [8, 1024], strides = [1, 1]} : vector<1024x1024xf32> to vector<8x1024xf32>
    %mul3A_929 = arith.constant 128 : i32
    %mul3A_930 = arith.muli %arg0, %mul3A_929 : i32
    %add3A_931 = arith.constant 70 : i32
    %add3A_932 = arith.addi %mul3A_930, %add3A_931 : i32
    %gt3A_933 = arith.cmpf ogt, %slice3A_928, %select_n3A_921 : vector<8x1024xf32>
    %select_n3A_934 = arith.select %gt3A_933, %slice3A_928, %select_n3A_921 : vector<8x1024xi1>, vector<8x1024xf32>
    %broadcast_in_dim3A_935 = vector.broadcast %add3A_932 : i32 to vector<8x1024xi32>
    %select_n3A_936 = arith.select %gt3A_933, %broadcast_in_dim3A_935, %select_n3A_923 : vector<8x1024xi1>, vector<8x1024xi32>
    %lt3A_937 = arith.cmpf olt, %slice3A_928, %select_n3A_925 : vector<8x1024xf32>
    %select_n3A_938 = arith.select %lt3A_937, %slice3A_928, %select_n3A_925 : vector<8x1024xi1>, vector<8x1024xf32>
    %broadcast_in_dim3A_939 = vector.broadcast %add3A_932 : i32 to vector<8x1024xi32>
    %select_n3A_940 = arith.select %lt3A_937, %broadcast_in_dim3A_939, %select_n3A_927 : vector<8x1024xi1>, vector<8x1024xi32>
    %slice3A_941 = vector.extract_strided_slice %dot_general3A_12 {offsets = [568, 0], sizes = [8, 1024], strides = [1, 1]} : vector<1024x1024xf32> to vector<8x1024xf32>
    %mul3A_942 = arith.constant 128 : i32
    %mul3A_943 = arith.muli %arg0, %mul3A_942 : i32
    %add3A_944 = arith.constant 71 : i32
    %add3A_945 = arith.addi %mul3A_943, %add3A_944 : i32
    %gt3A_946 = arith.cmpf ogt, %slice3A_941, %select_n3A_934 : vector<8x1024xf32>
    %select_n3A_947 = arith.select %gt3A_946, %slice3A_941, %select_n3A_934 : vector<8x1024xi1>, vector<8x1024xf32>
    %broadcast_in_dim3A_948 = vector.broadcast %add3A_945 : i32 to vector<8x1024xi32>
    %select_n3A_949 = arith.select %gt3A_946, %broadcast_in_dim3A_948, %select_n3A_936 : vector<8x1024xi1>, vector<8x1024xi32>
    %lt3A_950 = arith.cmpf olt, %slice3A_941, %select_n3A_938 : vector<8x1024xf32>
    %select_n3A_951 = arith.select %lt3A_950, %slice3A_941, %select_n3A_938 : vector<8x1024xi1>, vector<8x1024xf32>
    %broadcast_in_dim3A_952 = vector.broadcast %add3A_945 : i32 to vector<8x1024xi32>
    %select_n3A_953 = arith.select %lt3A_950, %broadcast_in_dim3A_952, %select_n3A_940 : vector<8x1024xi1>, vector<8x1024xi32>
    %lt3A_954 = arith.constant 976 : i32
    %lt3A_955 = arith.cmpi slt, %arg0, %lt3A_954 : i32
    %convert_element_type3A_956 = arith.extui %lt3A_955 : i1 to i32
    %cond3A_957 = arith.constant 0 : i32
    %cond3A_958 = arith.cmpi ne, %convert_element_type3A_956, %cond3A_957 : i32
    %cond3A_959:4 = scf.if %cond3A_958 -> (vector<8x1024xf32>, vector<8x1024xi32>, vector<8x1024xf32>, vector<8x1024xi32>) {
      %slice3A_977 = vector.extract_strided_slice %dot_general3A_12 {offsets = [576, 0], sizes = [8, 1024], strides = [1, 1]} : vector<1024x1024xf32> to vector<8x1024xf32>
      %mul3A_978 = arith.constant 128 : i32
      %mul3A_979 = arith.muli %arg0, %mul3A_978 : i32
      %add3A_980 = arith.constant 72 : i32
      %add3A_981 = arith.addi %mul3A_979, %add3A_980 : i32
      %gt3A_982 = arith.cmpf ogt, %slice3A_977, %select_n3A_947 : vector<8x1024xf32>
      %select_n3A_983 = arith.select %gt3A_982, %slice3A_977, %select_n3A_947 : vector<8x1024xi1>, vector<8x1024xf32>
      %broadcast_in_dim3A_984 = vector.broadcast %add3A_981 : i32 to vector<8x1024xi32>
      %select_n3A_985 = arith.select %gt3A_982, %broadcast_in_dim3A_984, %select_n3A_949 : vector<8x1024xi1>, vector<8x1024xi32>
      %lt3A_986 = arith.cmpf olt, %slice3A_977, %select_n3A_951 : vector<8x1024xf32>
      %select_n3A_987 = arith.select %lt3A_986, %slice3A_977, %select_n3A_951 : vector<8x1024xi1>, vector<8x1024xf32>
      %broadcast_in_dim3A_988 = vector.broadcast %add3A_981 : i32 to vector<8x1024xi32>
      %select_n3A_989 = arith.select %lt3A_986, %broadcast_in_dim3A_988, %select_n3A_953 : vector<8x1024xi1>, vector<8x1024xi32>
      %slice3A_990 = vector.extract_strided_slice %dot_general3A_12 {offsets = [584, 0], sizes = [8, 1024], strides = [1, 1]} : vector<1024x1024xf32> to vector<8x1024xf32>
      %mul3A_991 = arith.constant 128 : i32
      %mul3A_992 = arith.muli %arg0, %mul3A_991 : i32
      %add3A_993 = arith.constant 73 : i32
      %add3A_994 = arith.addi %mul3A_992, %add3A_993 : i32
      %gt3A_995 = arith.cmpf ogt, %slice3A_990, %select_n3A_983 : vector<8x1024xf32>
      %select_n3A_996 = arith.select %gt3A_995, %slice3A_990, %select_n3A_983 : vector<8x1024xi1>, vector<8x1024xf32>
      %broadcast_in_dim3A_997 = vector.broadcast %add3A_994 : i32 to vector<8x1024xi32>
      %select_n3A_998 = arith.select %gt3A_995, %broadcast_in_dim3A_997, %select_n3A_985 : vector<8x1024xi1>, vector<8x1024xi32>
      %lt3A_999 = arith.cmpf olt, %slice3A_990, %select_n3A_987 : vector<8x1024xf32>
      %select_n3A_1000 = arith.select %lt3A_999, %slice3A_990, %select_n3A_987 : vector<8x1024xi1>, vector<8x1024xf32>
      %broadcast_in_dim3A_1001 = vector.broadcast %add3A_994 : i32 to vector<8x1024xi32>
      %select_n3A_1002 = arith.select %lt3A_999, %broadcast_in_dim3A_1001, %select_n3A_989 : vector<8x1024xi1>, vector<8x1024xi32>
      %slice3A_1003 = vector.extract_strided_slice %dot_general3A_12 {offsets = [592, 0], sizes = [8, 1024], strides = [1, 1]} : vector<1024x1024xf32> to vector<8x1024xf32>
      %mul3A_1004 = arith.constant 128 : i32
      %mul3A_1005 = arith.muli %arg0, %mul3A_1004 : i32
      %add3A_1006 = arith.constant 74 : i32
      %add3A_1007 = arith.addi %mul3A_1005, %add3A_1006 : i32
      %gt3A_1008 = arith.cmpf ogt, %slice3A_1003, %select_n3A_996 : vector<8x1024xf32>
      %select_n3A_1009 = arith.select %gt3A_1008, %slice3A_1003, %select_n3A_996 : vector<8x1024xi1>, vector<8x1024xf32>
      %broadcast_in_dim3A_1010 = vector.broadcast %add3A_1007 : i32 to vector<8x1024xi32>
      %select_n3A_1011 = arith.select %gt3A_1008, %broadcast_in_dim3A_1010, %select_n3A_998 : vector<8x1024xi1>, vector<8x1024xi32>
      %lt3A_1012 = arith.cmpf olt, %slice3A_1003, %select_n3A_1000 : vector<8x1024xf32>
      %select_n3A_1013 = arith.select %lt3A_1012, %slice3A_1003, %select_n3A_1000 : vector<8x1024xi1>, vector<8x1024xf32>
      %broadcast_in_dim3A_1014 = vector.broadcast %add3A_1007 : i32 to vector<8x1024xi32>
      %select_n3A_1015 = arith.select %lt3A_1012, %broadcast_in_dim3A_1014, %select_n3A_1002 : vector<8x1024xi1>, vector<8x1024xi32>
      %slice3A_1016 = vector.extract_strided_slice %dot_general3A_12 {offsets = [600, 0], sizes = [8, 1024], strides = [1, 1]} : vector<1024x1024xf32> to vector<8x1024xf32>
      %mul3A_1017 = arith.constant 128 : i32
      %mul3A_1018 = arith.muli %arg0, %mul3A_1017 : i32
      %add3A_1019 = arith.constant 75 : i32
      %add3A_1020 = arith.addi %mul3A_1018, %add3A_1019 : i32
      %gt3A_1021 = arith.cmpf ogt, %slice3A_1016, %select_n3A_1009 : vector<8x1024xf32>
      %select_n3A_1022 = arith.select %gt3A_1021, %slice3A_1016, %select_n3A_1009 : vector<8x1024xi1>, vector<8x1024xf32>
      %broadcast_in_dim3A_1023 = vector.broadcast %add3A_1020 : i32 to vector<8x1024xi32>
      %select_n3A_1024 = arith.select %gt3A_1021, %broadcast_in_dim3A_1023, %select_n3A_1011 : vector<8x1024xi1>, vector<8x1024xi32>
      %lt3A_1025 = arith.cmpf olt, %slice3A_1016, %select_n3A_1013 : vector<8x1024xf32>
      %select_n3A_1026 = arith.select %lt3A_1025, %slice3A_1016, %select_n3A_1013 : vector<8x1024xi1>, vector<8x1024xf32>
      %broadcast_in_dim3A_1027 = vector.broadcast %add3A_1020 : i32 to vector<8x1024xi32>
      %select_n3A_1028 = arith.select %lt3A_1025, %broadcast_in_dim3A_1027, %select_n3A_1015 : vector<8x1024xi1>, vector<8x1024xi32>
      %slice3A_1029 = vector.extract_strided_slice %dot_general3A_12 {offsets = [608, 0], sizes = [8, 1024], strides = [1, 1]} : vector<1024x1024xf32> to vector<8x1024xf32>
      %mul3A_1030 = arith.constant 128 : i32
      %mul3A_1031 = arith.muli %arg0, %mul3A_1030 : i32
      %add3A_1032 = arith.constant 76 : i32
      %add3A_1033 = arith.addi %mul3A_1031, %add3A_1032 : i32
      %gt3A_1034 = arith.cmpf ogt, %slice3A_1029, %select_n3A_1022 : vector<8x1024xf32>
      %select_n3A_1035 = arith.select %gt3A_1034, %slice3A_1029, %select_n3A_1022 : vector<8x1024xi1>, vector<8x1024xf32>
      %broadcast_in_dim3A_1036 = vector.broadcast %add3A_1033 : i32 to vector<8x1024xi32>
      %select_n3A_1037 = arith.select %gt3A_1034, %broadcast_in_dim3A_1036, %select_n3A_1024 : vector<8x1024xi1>, vector<8x1024xi32>
      %lt3A_1038 = arith.cmpf olt, %slice3A_1029, %select_n3A_1026 : vector<8x1024xf32>
      %select_n3A_1039 = arith.select %lt3A_1038, %slice3A_1029, %select_n3A_1026 : vector<8x1024xi1>, vector<8x1024xf32>
      %broadcast_in_dim3A_1040 = vector.broadcast %add3A_1033 : i32 to vector<8x1024xi32>
      %select_n3A_1041 = arith.select %lt3A_1038, %broadcast_in_dim3A_1040, %select_n3A_1028 : vector<8x1024xi1>, vector<8x1024xi32>
      %slice3A_1042 = vector.extract_strided_slice %dot_general3A_12 {offsets = [616, 0], sizes = [8, 1024], strides = [1, 1]} : vector<1024x1024xf32> to vector<8x1024xf32>
      %mul3A_1043 = arith.constant 128 : i32
      %mul3A_1044 = arith.muli %arg0, %mul3A_1043 : i32
      %add3A_1045 = arith.constant 77 : i32
      %add3A_1046 = arith.addi %mul3A_1044, %add3A_1045 : i32
      %gt3A_1047 = arith.cmpf ogt, %slice3A_1042, %select_n3A_1035 : vector<8x1024xf32>
      %select_n3A_1048 = arith.select %gt3A_1047, %slice3A_1042, %select_n3A_1035 : vector<8x1024xi1>, vector<8x1024xf32>
      %broadcast_in_dim3A_1049 = vector.broadcast %add3A_1046 : i32 to vector<8x1024xi32>
      %select_n3A_1050 = arith.select %gt3A_1047, %broadcast_in_dim3A_1049, %select_n3A_1037 : vector<8x1024xi1>, vector<8x1024xi32>
      %lt3A_1051 = arith.cmpf olt, %slice3A_1042, %select_n3A_1039 : vector<8x1024xf32>
      %select_n3A_1052 = arith.select %lt3A_1051, %slice3A_1042, %select_n3A_1039 : vector<8x1024xi1>, vector<8x1024xf32>
      %broadcast_in_dim3A_1053 = vector.broadcast %add3A_1046 : i32 to vector<8x1024xi32>
      %select_n3A_1054 = arith.select %lt3A_1051, %broadcast_in_dim3A_1053, %select_n3A_1041 : vector<8x1024xi1>, vector<8x1024xi32>
      %slice3A_1055 = vector.extract_strided_slice %dot_general3A_12 {offsets = [624, 0], sizes = [8, 1024], strides = [1, 1]} : vector<1024x1024xf32> to vector<8x1024xf32>
      %mul3A_1056 = arith.constant 128 : i32
      %mul3A_1057 = arith.muli %arg0, %mul3A_1056 : i32
      %add3A_1058 = arith.constant 78 : i32
      %add3A_1059 = arith.addi %mul3A_1057, %add3A_1058 : i32
      %gt3A_1060 = arith.cmpf ogt, %slice3A_1055, %select_n3A_1048 : vector<8x1024xf32>
      %select_n3A_1061 = arith.select %gt3A_1060, %slice3A_1055, %select_n3A_1048 : vector<8x1024xi1>, vector<8x1024xf32>
      %broadcast_in_dim3A_1062 = vector.broadcast %add3A_1059 : i32 to vector<8x1024xi32>
      %select_n3A_1063 = arith.select %gt3A_1060, %broadcast_in_dim3A_1062, %select_n3A_1050 : vector<8x1024xi1>, vector<8x1024xi32>
      %lt3A_1064 = arith.cmpf olt, %slice3A_1055, %select_n3A_1052 : vector<8x1024xf32>
      %select_n3A_1065 = arith.select %lt3A_1064, %slice3A_1055, %select_n3A_1052 : vector<8x1024xi1>, vector<8x1024xf32>
      %broadcast_in_dim3A_1066 = vector.broadcast %add3A_1059 : i32 to vector<8x1024xi32>
      %select_n3A_1067 = arith.select %lt3A_1064, %broadcast_in_dim3A_1066, %select_n3A_1054 : vector<8x1024xi1>, vector<8x1024xi32>
      %slice3A_1068 = vector.extract_strided_slice %dot_general3A_12 {offsets = [632, 0], sizes = [8, 1024], strides = [1, 1]} : vector<1024x1024xf32> to vector<8x1024xf32>
      %mul3A_1069 = arith.constant 128 : i32
      %mul3A_1070 = arith.muli %arg0, %mul3A_1069 : i32
      %add3A_1071 = arith.constant 79 : i32
      %add3A_1072 = arith.addi %mul3A_1070, %add3A_1071 : i32
      %gt3A_1073 = arith.cmpf ogt, %slice3A_1068, %select_n3A_1061 : vector<8x1024xf32>
      %select_n3A_1074 = arith.select %gt3A_1073, %slice3A_1068, %select_n3A_1061 : vector<8x1024xi1>, vector<8x1024xf32>
      %broadcast_in_dim3A_1075 = vector.broadcast %add3A_1072 : i32 to vector<8x1024xi32>
      %select_n3A_1076 = arith.select %gt3A_1073, %broadcast_in_dim3A_1075, %select_n3A_1063 : vector<8x1024xi1>, vector<8x1024xi32>
      %lt3A_1077 = arith.cmpf olt, %slice3A_1068, %select_n3A_1065 : vector<8x1024xf32>
      %select_n3A_1078 = arith.select %lt3A_1077, %slice3A_1068, %select_n3A_1065 : vector<8x1024xi1>, vector<8x1024xf32>
      %broadcast_in_dim3A_1079 = vector.broadcast %add3A_1072 : i32 to vector<8x1024xi32>
      %select_n3A_1080 = arith.select %lt3A_1077, %broadcast_in_dim3A_1079, %select_n3A_1067 : vector<8x1024xi1>, vector<8x1024xi32>
      %slice3A_1081 = vector.extract_strided_slice %dot_general3A_12 {offsets = [640, 0], sizes = [8, 1024], strides = [1, 1]} : vector<1024x1024xf32> to vector<8x1024xf32>
      %mul3A_1082 = arith.constant 128 : i32
      %mul3A_1083 = arith.muli %arg0, %mul3A_1082 : i32
      %add3A_1084 = arith.constant 80 : i32
      %add3A_1085 = arith.addi %mul3A_1083, %add3A_1084 : i32
      %gt3A_1086 = arith.cmpf ogt, %slice3A_1081, %select_n3A_1074 : vector<8x1024xf32>
      %select_n3A_1087 = arith.select %gt3A_1086, %slice3A_1081, %select_n3A_1074 : vector<8x1024xi1>, vector<8x1024xf32>
      %broadcast_in_dim3A_1088 = vector.broadcast %add3A_1085 : i32 to vector<8x1024xi32>
      %select_n3A_1089 = arith.select %gt3A_1086, %broadcast_in_dim3A_1088, %select_n3A_1076 : vector<8x1024xi1>, vector<8x1024xi32>
      %lt3A_1090 = arith.cmpf olt, %slice3A_1081, %select_n3A_1078 : vector<8x1024xf32>
      %select_n3A_1091 = arith.select %lt3A_1090, %slice3A_1081, %select_n3A_1078 : vector<8x1024xi1>, vector<8x1024xf32>
      %broadcast_in_dim3A_1092 = vector.broadcast %add3A_1085 : i32 to vector<8x1024xi32>
      %select_n3A_1093 = arith.select %lt3A_1090, %broadcast_in_dim3A_1092, %select_n3A_1080 : vector<8x1024xi1>, vector<8x1024xi32>
      %slice3A_1094 = vector.extract_strided_slice %dot_general3A_12 {offsets = [648, 0], sizes = [8, 1024], strides = [1, 1]} : vector<1024x1024xf32> to vector<8x1024xf32>
      %mul3A_1095 = arith.constant 128 : i32
      %mul3A_1096 = arith.muli %arg0, %mul3A_1095 : i32
      %add3A_1097 = arith.constant 81 : i32
      %add3A_1098 = arith.addi %mul3A_1096, %add3A_1097 : i32
      %gt3A_1099 = arith.cmpf ogt, %slice3A_1094, %select_n3A_1087 : vector<8x1024xf32>
      %select_n3A_1100 = arith.select %gt3A_1099, %slice3A_1094, %select_n3A_1087 : vector<8x1024xi1>, vector<8x1024xf32>
      %broadcast_in_dim3A_1101 = vector.broadcast %add3A_1098 : i32 to vector<8x1024xi32>
      %select_n3A_1102 = arith.select %gt3A_1099, %broadcast_in_dim3A_1101, %select_n3A_1089 : vector<8x1024xi1>, vector<8x1024xi32>
      %lt3A_1103 = arith.cmpf olt, %slice3A_1094, %select_n3A_1091 : vector<8x1024xf32>
      %select_n3A_1104 = arith.select %lt3A_1103, %slice3A_1094, %select_n3A_1091 : vector<8x1024xi1>, vector<8x1024xf32>
      %broadcast_in_dim3A_1105 = vector.broadcast %add3A_1098 : i32 to vector<8x1024xi32>
      %select_n3A_1106 = arith.select %lt3A_1103, %broadcast_in_dim3A_1105, %select_n3A_1093 : vector<8x1024xi1>, vector<8x1024xi32>
      %slice3A_1107 = vector.extract_strided_slice %dot_general3A_12 {offsets = [656, 0], sizes = [8, 1024], strides = [1, 1]} : vector<1024x1024xf32> to vector<8x1024xf32>
      %mul3A_1108 = arith.constant 128 : i32
      %mul3A_1109 = arith.muli %arg0, %mul3A_1108 : i32
      %add3A_1110 = arith.constant 82 : i32
      %add3A_1111 = arith.addi %mul3A_1109, %add3A_1110 : i32
      %gt3A_1112 = arith.cmpf ogt, %slice3A_1107, %select_n3A_1100 : vector<8x1024xf32>
      %select_n3A_1113 = arith.select %gt3A_1112, %slice3A_1107, %select_n3A_1100 : vector<8x1024xi1>, vector<8x1024xf32>
      %broadcast_in_dim3A_1114 = vector.broadcast %add3A_1111 : i32 to vector<8x1024xi32>
      %select_n3A_1115 = arith.select %gt3A_1112, %broadcast_in_dim3A_1114, %select_n3A_1102 : vector<8x1024xi1>, vector<8x1024xi32>
      %lt3A_1116 = arith.cmpf olt, %slice3A_1107, %select_n3A_1104 : vector<8x1024xf32>
      %select_n3A_1117 = arith.select %lt3A_1116, %slice3A_1107, %select_n3A_1104 : vector<8x1024xi1>, vector<8x1024xf32>
      %broadcast_in_dim3A_1118 = vector.broadcast %add3A_1111 : i32 to vector<8x1024xi32>
      %select_n3A_1119 = arith.select %lt3A_1116, %broadcast_in_dim3A_1118, %select_n3A_1106 : vector<8x1024xi1>, vector<8x1024xi32>
      %slice3A_1120 = vector.extract_strided_slice %dot_general3A_12 {offsets = [664, 0], sizes = [8, 1024], strides = [1, 1]} : vector<1024x1024xf32> to vector<8x1024xf32>
      %mul3A_1121 = arith.constant 128 : i32
      %mul3A_1122 = arith.muli %arg0, %mul3A_1121 : i32
      %add3A_1123 = arith.constant 83 : i32
      %add3A_1124 = arith.addi %mul3A_1122, %add3A_1123 : i32
      %gt3A_1125 = arith.cmpf ogt, %slice3A_1120, %select_n3A_1113 : vector<8x1024xf32>
      %select_n3A_1126 = arith.select %gt3A_1125, %slice3A_1120, %select_n3A_1113 : vector<8x1024xi1>, vector<8x1024xf32>
      %broadcast_in_dim3A_1127 = vector.broadcast %add3A_1124 : i32 to vector<8x1024xi32>
      %select_n3A_1128 = arith.select %gt3A_1125, %broadcast_in_dim3A_1127, %select_n3A_1115 : vector<8x1024xi1>, vector<8x1024xi32>
      %lt3A_1129 = arith.cmpf olt, %slice3A_1120, %select_n3A_1117 : vector<8x1024xf32>
      %select_n3A_1130 = arith.select %lt3A_1129, %slice3A_1120, %select_n3A_1117 : vector<8x1024xi1>, vector<8x1024xf32>
      %broadcast_in_dim3A_1131 = vector.broadcast %add3A_1124 : i32 to vector<8x1024xi32>
      %select_n3A_1132 = arith.select %lt3A_1129, %broadcast_in_dim3A_1131, %select_n3A_1119 : vector<8x1024xi1>, vector<8x1024xi32>
      %slice3A_1133 = vector.extract_strided_slice %dot_general3A_12 {offsets = [672, 0], sizes = [8, 1024], strides = [1, 1]} : vector<1024x1024xf32> to vector<8x1024xf32>
      %mul3A_1134 = arith.constant 128 : i32
      %mul3A_1135 = arith.muli %arg0, %mul3A_1134 : i32
      %add3A_1136 = arith.constant 84 : i32
      %add3A_1137 = arith.addi %mul3A_1135, %add3A_1136 : i32
      %gt3A_1138 = arith.cmpf ogt, %slice3A_1133, %select_n3A_1126 : vector<8x1024xf32>
      %select_n3A_1139 = arith.select %gt3A_1138, %slice3A_1133, %select_n3A_1126 : vector<8x1024xi1>, vector<8x1024xf32>
      %broadcast_in_dim3A_1140 = vector.broadcast %add3A_1137 : i32 to vector<8x1024xi32>
      %select_n3A_1141 = arith.select %gt3A_1138, %broadcast_in_dim3A_1140, %select_n3A_1128 : vector<8x1024xi1>, vector<8x1024xi32>
      %lt3A_1142 = arith.cmpf olt, %slice3A_1133, %select_n3A_1130 : vector<8x1024xf32>
      %select_n3A_1143 = arith.select %lt3A_1142, %slice3A_1133, %select_n3A_1130 : vector<8x1024xi1>, vector<8x1024xf32>
      %broadcast_in_dim3A_1144 = vector.broadcast %add3A_1137 : i32 to vector<8x1024xi32>
      %select_n3A_1145 = arith.select %lt3A_1142, %broadcast_in_dim3A_1144, %select_n3A_1132 : vector<8x1024xi1>, vector<8x1024xi32>
      %slice3A_1146 = vector.extract_strided_slice %dot_general3A_12 {offsets = [680, 0], sizes = [8, 1024], strides = [1, 1]} : vector<1024x1024xf32> to vector<8x1024xf32>
      %mul3A_1147 = arith.constant 128 : i32
      %mul3A_1148 = arith.muli %arg0, %mul3A_1147 : i32
      %add3A_1149 = arith.constant 85 : i32
      %add3A_1150 = arith.addi %mul3A_1148, %add3A_1149 : i32
      %gt3A_1151 = arith.cmpf ogt, %slice3A_1146, %select_n3A_1139 : vector<8x1024xf32>
      %select_n3A_1152 = arith.select %gt3A_1151, %slice3A_1146, %select_n3A_1139 : vector<8x1024xi1>, vector<8x1024xf32>
      %broadcast_in_dim3A_1153 = vector.broadcast %add3A_1150 : i32 to vector<8x1024xi32>
      %select_n3A_1154 = arith.select %gt3A_1151, %broadcast_in_dim3A_1153, %select_n3A_1141 : vector<8x1024xi1>, vector<8x1024xi32>
      %lt3A_1155 = arith.cmpf olt, %slice3A_1146, %select_n3A_1143 : vector<8x1024xf32>
      %select_n3A_1156 = arith.select %lt3A_1155, %slice3A_1146, %select_n3A_1143 : vector<8x1024xi1>, vector<8x1024xf32>
      %broadcast_in_dim3A_1157 = vector.broadcast %add3A_1150 : i32 to vector<8x1024xi32>
      %select_n3A_1158 = arith.select %lt3A_1155, %broadcast_in_dim3A_1157, %select_n3A_1145 : vector<8x1024xi1>, vector<8x1024xi32>
      %slice3A_1159 = vector.extract_strided_slice %dot_general3A_12 {offsets = [688, 0], sizes = [8, 1024], strides = [1, 1]} : vector<1024x1024xf32> to vector<8x1024xf32>
      %mul3A_1160 = arith.constant 128 : i32
      %mul3A_1161 = arith.muli %arg0, %mul3A_1160 : i32
      %add3A_1162 = arith.constant 86 : i32
      %add3A_1163 = arith.addi %mul3A_1161, %add3A_1162 : i32
      %gt3A_1164 = arith.cmpf ogt, %slice3A_1159, %select_n3A_1152 : vector<8x1024xf32>
      %select_n3A_1165 = arith.select %gt3A_1164, %slice3A_1159, %select_n3A_1152 : vector<8x1024xi1>, vector<8x1024xf32>
      %broadcast_in_dim3A_1166 = vector.broadcast %add3A_1163 : i32 to vector<8x1024xi32>
      %select_n3A_1167 = arith.select %gt3A_1164, %broadcast_in_dim3A_1166, %select_n3A_1154 : vector<8x1024xi1>, vector<8x1024xi32>
      %lt3A_1168 = arith.cmpf olt, %slice3A_1159, %select_n3A_1156 : vector<8x1024xf32>
      %select_n3A_1169 = arith.select %lt3A_1168, %slice3A_1159, %select_n3A_1156 : vector<8x1024xi1>, vector<8x1024xf32>
      %broadcast_in_dim3A_1170 = vector.broadcast %add3A_1163 : i32 to vector<8x1024xi32>
      %select_n3A_1171 = arith.select %lt3A_1168, %broadcast_in_dim3A_1170, %select_n3A_1158 : vector<8x1024xi1>, vector<8x1024xi32>
      %slice3A_1172 = vector.extract_strided_slice %dot_general3A_12 {offsets = [696, 0], sizes = [8, 1024], strides = [1, 1]} : vector<1024x1024xf32> to vector<8x1024xf32>
      %mul3A_1173 = arith.constant 128 : i32
      %mul3A_1174 = arith.muli %arg0, %mul3A_1173 : i32
      %add3A_1175 = arith.constant 87 : i32
      %add3A_1176 = arith.addi %mul3A_1174, %add3A_1175 : i32
      %gt3A_1177 = arith.cmpf ogt, %slice3A_1172, %select_n3A_1165 : vector<8x1024xf32>
      %select_n3A_1178 = arith.select %gt3A_1177, %slice3A_1172, %select_n3A_1165 : vector<8x1024xi1>, vector<8x1024xf32>
      %broadcast_in_dim3A_1179 = vector.broadcast %add3A_1176 : i32 to vector<8x1024xi32>
      %select_n3A_1180 = arith.select %gt3A_1177, %broadcast_in_dim3A_1179, %select_n3A_1167 : vector<8x1024xi1>, vector<8x1024xi32>
      %lt3A_1181 = arith.cmpf olt, %slice3A_1172, %select_n3A_1169 : vector<8x1024xf32>
      %select_n3A_1182 = arith.select %lt3A_1181, %slice3A_1172, %select_n3A_1169 : vector<8x1024xi1>, vector<8x1024xf32>
      %broadcast_in_dim3A_1183 = vector.broadcast %add3A_1176 : i32 to vector<8x1024xi32>
      %select_n3A_1184 = arith.select %lt3A_1181, %broadcast_in_dim3A_1183, %select_n3A_1171 : vector<8x1024xi1>, vector<8x1024xi32>
      %slice3A_1185 = vector.extract_strided_slice %dot_general3A_12 {offsets = [704, 0], sizes = [8, 1024], strides = [1, 1]} : vector<1024x1024xf32> to vector<8x1024xf32>
      %mul3A_1186 = arith.constant 128 : i32
      %mul3A_1187 = arith.muli %arg0, %mul3A_1186 : i32
      %add3A_1188 = arith.constant 88 : i32
      %add3A_1189 = arith.addi %mul3A_1187, %add3A_1188 : i32
      %gt3A_1190 = arith.cmpf ogt, %slice3A_1185, %select_n3A_1178 : vector<8x1024xf32>
      %select_n3A_1191 = arith.select %gt3A_1190, %slice3A_1185, %select_n3A_1178 : vector<8x1024xi1>, vector<8x1024xf32>
      %broadcast_in_dim3A_1192 = vector.broadcast %add3A_1189 : i32 to vector<8x1024xi32>
      %select_n3A_1193 = arith.select %gt3A_1190, %broadcast_in_dim3A_1192, %select_n3A_1180 : vector<8x1024xi1>, vector<8x1024xi32>
      %lt3A_1194 = arith.cmpf olt, %slice3A_1185, %select_n3A_1182 : vector<8x1024xf32>
      %select_n3A_1195 = arith.select %lt3A_1194, %slice3A_1185, %select_n3A_1182 : vector<8x1024xi1>, vector<8x1024xf32>
      %broadcast_in_dim3A_1196 = vector.broadcast %add3A_1189 : i32 to vector<8x1024xi32>
      %select_n3A_1197 = arith.select %lt3A_1194, %broadcast_in_dim3A_1196, %select_n3A_1184 : vector<8x1024xi1>, vector<8x1024xi32>
      %slice3A_1198 = vector.extract_strided_slice %dot_general3A_12 {offsets = [712, 0], sizes = [8, 1024], strides = [1, 1]} : vector<1024x1024xf32> to vector<8x1024xf32>
      %mul3A_1199 = arith.constant 128 : i32
      %mul3A_1200 = arith.muli %arg0, %mul3A_1199 : i32
      %add3A_1201 = arith.constant 89 : i32
      %add3A_1202 = arith.addi %mul3A_1200, %add3A_1201 : i32
      %gt3A_1203 = arith.cmpf ogt, %slice3A_1198, %select_n3A_1191 : vector<8x1024xf32>
      %select_n3A_1204 = arith.select %gt3A_1203, %slice3A_1198, %select_n3A_1191 : vector<8x1024xi1>, vector<8x1024xf32>
      %broadcast_in_dim3A_1205 = vector.broadcast %add3A_1202 : i32 to vector<8x1024xi32>
      %select_n3A_1206 = arith.select %gt3A_1203, %broadcast_in_dim3A_1205, %select_n3A_1193 : vector<8x1024xi1>, vector<8x1024xi32>
      %lt3A_1207 = arith.cmpf olt, %slice3A_1198, %select_n3A_1195 : vector<8x1024xf32>
      %select_n3A_1208 = arith.select %lt3A_1207, %slice3A_1198, %select_n3A_1195 : vector<8x1024xi1>, vector<8x1024xf32>
      %broadcast_in_dim3A_1209 = vector.broadcast %add3A_1202 : i32 to vector<8x1024xi32>
      %select_n3A_1210 = arith.select %lt3A_1207, %broadcast_in_dim3A_1209, %select_n3A_1197 : vector<8x1024xi1>, vector<8x1024xi32>
      %slice3A_1211 = vector.extract_strided_slice %dot_general3A_12 {offsets = [720, 0], sizes = [8, 1024], strides = [1, 1]} : vector<1024x1024xf32> to vector<8x1024xf32>
      %mul3A_1212 = arith.constant 128 : i32
      %mul3A_1213 = arith.muli %arg0, %mul3A_1212 : i32
      %add3A_1214 = arith.constant 90 : i32
      %add3A_1215 = arith.addi %mul3A_1213, %add3A_1214 : i32
      %gt3A_1216 = arith.cmpf ogt, %slice3A_1211, %select_n3A_1204 : vector<8x1024xf32>
      %select_n3A_1217 = arith.select %gt3A_1216, %slice3A_1211, %select_n3A_1204 : vector<8x1024xi1>, vector<8x1024xf32>
      %broadcast_in_dim3A_1218 = vector.broadcast %add3A_1215 : i32 to vector<8x1024xi32>
      %select_n3A_1219 = arith.select %gt3A_1216, %broadcast_in_dim3A_1218, %select_n3A_1206 : vector<8x1024xi1>, vector<8x1024xi32>
      %lt3A_1220 = arith.cmpf olt, %slice3A_1211, %select_n3A_1208 : vector<8x1024xf32>
      %select_n3A_1221 = arith.select %lt3A_1220, %slice3A_1211, %select_n3A_1208 : vector<8x1024xi1>, vector<8x1024xf32>
      %broadcast_in_dim3A_1222 = vector.broadcast %add3A_1215 : i32 to vector<8x1024xi32>
      %select_n3A_1223 = arith.select %lt3A_1220, %broadcast_in_dim3A_1222, %select_n3A_1210 : vector<8x1024xi1>, vector<8x1024xi32>
      %slice3A_1224 = vector.extract_strided_slice %dot_general3A_12 {offsets = [728, 0], sizes = [8, 1024], strides = [1, 1]} : vector<1024x1024xf32> to vector<8x1024xf32>
      %mul3A_1225 = arith.constant 128 : i32
      %mul3A_1226 = arith.muli %arg0, %mul3A_1225 : i32
      %add3A_1227 = arith.constant 91 : i32
      %add3A_1228 = arith.addi %mul3A_1226, %add3A_1227 : i32
      %gt3A_1229 = arith.cmpf ogt, %slice3A_1224, %select_n3A_1217 : vector<8x1024xf32>
      %select_n3A_1230 = arith.select %gt3A_1229, %slice3A_1224, %select_n3A_1217 : vector<8x1024xi1>, vector<8x1024xf32>
      %broadcast_in_dim3A_1231 = vector.broadcast %add3A_1228 : i32 to vector<8x1024xi32>
      %select_n3A_1232 = arith.select %gt3A_1229, %broadcast_in_dim3A_1231, %select_n3A_1219 : vector<8x1024xi1>, vector<8x1024xi32>
      %lt3A_1233 = arith.cmpf olt, %slice3A_1224, %select_n3A_1221 : vector<8x1024xf32>
      %select_n3A_1234 = arith.select %lt3A_1233, %slice3A_1224, %select_n3A_1221 : vector<8x1024xi1>, vector<8x1024xf32>
      %broadcast_in_dim3A_1235 = vector.broadcast %add3A_1228 : i32 to vector<8x1024xi32>
      %select_n3A_1236 = arith.select %lt3A_1233, %broadcast_in_dim3A_1235, %select_n3A_1223 : vector<8x1024xi1>, vector<8x1024xi32>
      %slice3A_1237 = vector.extract_strided_slice %dot_general3A_12 {offsets = [736, 0], sizes = [8, 1024], strides = [1, 1]} : vector<1024x1024xf32> to vector<8x1024xf32>
      %mul3A_1238 = arith.constant 128 : i32
      %mul3A_1239 = arith.muli %arg0, %mul3A_1238 : i32
      %add3A_1240 = arith.constant 92 : i32
      %add3A_1241 = arith.addi %mul3A_1239, %add3A_1240 : i32
      %gt3A_1242 = arith.cmpf ogt, %slice3A_1237, %select_n3A_1230 : vector<8x1024xf32>
      %select_n3A_1243 = arith.select %gt3A_1242, %slice3A_1237, %select_n3A_1230 : vector<8x1024xi1>, vector<8x1024xf32>
      %broadcast_in_dim3A_1244 = vector.broadcast %add3A_1241 : i32 to vector<8x1024xi32>
      %select_n3A_1245 = arith.select %gt3A_1242, %broadcast_in_dim3A_1244, %select_n3A_1232 : vector<8x1024xi1>, vector<8x1024xi32>
      %lt3A_1246 = arith.cmpf olt, %slice3A_1237, %select_n3A_1234 : vector<8x1024xf32>
      %select_n3A_1247 = arith.select %lt3A_1246, %slice3A_1237, %select_n3A_1234 : vector<8x1024xi1>, vector<8x1024xf32>
      %broadcast_in_dim3A_1248 = vector.broadcast %add3A_1241 : i32 to vector<8x1024xi32>
      %select_n3A_1249 = arith.select %lt3A_1246, %broadcast_in_dim3A_1248, %select_n3A_1236 : vector<8x1024xi1>, vector<8x1024xi32>
      %slice3A_1250 = vector.extract_strided_slice %dot_general3A_12 {offsets = [744, 0], sizes = [8, 1024], strides = [1, 1]} : vector<1024x1024xf32> to vector<8x1024xf32>
      %mul3A_1251 = arith.constant 128 : i32
      %mul3A_1252 = arith.muli %arg0, %mul3A_1251 : i32
      %add3A_1253 = arith.constant 93 : i32
      %add3A_1254 = arith.addi %mul3A_1252, %add3A_1253 : i32
      %gt3A_1255 = arith.cmpf ogt, %slice3A_1250, %select_n3A_1243 : vector<8x1024xf32>
      %select_n3A_1256 = arith.select %gt3A_1255, %slice3A_1250, %select_n3A_1243 : vector<8x1024xi1>, vector<8x1024xf32>
      %broadcast_in_dim3A_1257 = vector.broadcast %add3A_1254 : i32 to vector<8x1024xi32>
      %select_n3A_1258 = arith.select %gt3A_1255, %broadcast_in_dim3A_1257, %select_n3A_1245 : vector<8x1024xi1>, vector<8x1024xi32>
      %lt3A_1259 = arith.cmpf olt, %slice3A_1250, %select_n3A_1247 : vector<8x1024xf32>
      %select_n3A_1260 = arith.select %lt3A_1259, %slice3A_1250, %select_n3A_1247 : vector<8x1024xi1>, vector<8x1024xf32>
      %broadcast_in_dim3A_1261 = vector.broadcast %add3A_1254 : i32 to vector<8x1024xi32>
      %select_n3A_1262 = arith.select %lt3A_1259, %broadcast_in_dim3A_1261, %select_n3A_1249 : vector<8x1024xi1>, vector<8x1024xi32>
      %slice3A_1263 = vector.extract_strided_slice %dot_general3A_12 {offsets = [752, 0], sizes = [8, 1024], strides = [1, 1]} : vector<1024x1024xf32> to vector<8x1024xf32>
      %mul3A_1264 = arith.constant 128 : i32
      %mul3A_1265 = arith.muli %arg0, %mul3A_1264 : i32
      %add3A_1266 = arith.constant 94 : i32
      %add3A_1267 = arith.addi %mul3A_1265, %add3A_1266 : i32
      %gt3A_1268 = arith.cmpf ogt, %slice3A_1263, %select_n3A_1256 : vector<8x1024xf32>
      %select_n3A_1269 = arith.select %gt3A_1268, %slice3A_1263, %select_n3A_1256 : vector<8x1024xi1>, vector<8x1024xf32>
      %broadcast_in_dim3A_1270 = vector.broadcast %add3A_1267 : i32 to vector<8x1024xi32>
      %select_n3A_1271 = arith.select %gt3A_1268, %broadcast_in_dim3A_1270, %select_n3A_1258 : vector<8x1024xi1>, vector<8x1024xi32>
      %lt3A_1272 = arith.cmpf olt, %slice3A_1263, %select_n3A_1260 : vector<8x1024xf32>
      %select_n3A_1273 = arith.select %lt3A_1272, %slice3A_1263, %select_n3A_1260 : vector<8x1024xi1>, vector<8x1024xf32>
      %broadcast_in_dim3A_1274 = vector.broadcast %add3A_1267 : i32 to vector<8x1024xi32>
      %select_n3A_1275 = arith.select %lt3A_1272, %broadcast_in_dim3A_1274, %select_n3A_1262 : vector<8x1024xi1>, vector<8x1024xi32>
      %slice3A_1276 = vector.extract_strided_slice %dot_general3A_12 {offsets = [760, 0], sizes = [8, 1024], strides = [1, 1]} : vector<1024x1024xf32> to vector<8x1024xf32>
      %mul3A_1277 = arith.constant 128 : i32
      %mul3A_1278 = arith.muli %arg0, %mul3A_1277 : i32
      %add3A_1279 = arith.constant 95 : i32
      %add3A_1280 = arith.addi %mul3A_1278, %add3A_1279 : i32
      %gt3A_1281 = arith.cmpf ogt, %slice3A_1276, %select_n3A_1269 : vector<8x1024xf32>
      %select_n3A_1282 = arith.select %gt3A_1281, %slice3A_1276, %select_n3A_1269 : vector<8x1024xi1>, vector<8x1024xf32>
      %broadcast_in_dim3A_1283 = vector.broadcast %add3A_1280 : i32 to vector<8x1024xi32>
      %select_n3A_1284 = arith.select %gt3A_1281, %broadcast_in_dim3A_1283, %select_n3A_1271 : vector<8x1024xi1>, vector<8x1024xi32>
      %lt3A_1285 = arith.cmpf olt, %slice3A_1276, %select_n3A_1273 : vector<8x1024xf32>
      %select_n3A_1286 = arith.select %lt3A_1285, %slice3A_1276, %select_n3A_1273 : vector<8x1024xi1>, vector<8x1024xf32>
      %broadcast_in_dim3A_1287 = vector.broadcast %add3A_1280 : i32 to vector<8x1024xi32>
      %select_n3A_1288 = arith.select %lt3A_1285, %broadcast_in_dim3A_1287, %select_n3A_1275 : vector<8x1024xi1>, vector<8x1024xi32>
      %slice3A_1289 = vector.extract_strided_slice %dot_general3A_12 {offsets = [768, 0], sizes = [8, 1024], strides = [1, 1]} : vector<1024x1024xf32> to vector<8x1024xf32>
      %mul3A_1290 = arith.constant 128 : i32
      %mul3A_1291 = arith.muli %arg0, %mul3A_1290 : i32
      %add3A_1292 = arith.constant 96 : i32
      %add3A_1293 = arith.addi %mul3A_1291, %add3A_1292 : i32
      %gt3A_1294 = arith.cmpf ogt, %slice3A_1289, %select_n3A_1282 : vector<8x1024xf32>
      %select_n3A_1295 = arith.select %gt3A_1294, %slice3A_1289, %select_n3A_1282 : vector<8x1024xi1>, vector<8x1024xf32>
      %broadcast_in_dim3A_1296 = vector.broadcast %add3A_1293 : i32 to vector<8x1024xi32>
      %select_n3A_1297 = arith.select %gt3A_1294, %broadcast_in_dim3A_1296, %select_n3A_1284 : vector<8x1024xi1>, vector<8x1024xi32>
      %lt3A_1298 = arith.cmpf olt, %slice3A_1289, %select_n3A_1286 : vector<8x1024xf32>
      %select_n3A_1299 = arith.select %lt3A_1298, %slice3A_1289, %select_n3A_1286 : vector<8x1024xi1>, vector<8x1024xf32>
      %broadcast_in_dim3A_1300 = vector.broadcast %add3A_1293 : i32 to vector<8x1024xi32>
      %select_n3A_1301 = arith.select %lt3A_1298, %broadcast_in_dim3A_1300, %select_n3A_1288 : vector<8x1024xi1>, vector<8x1024xi32>
      %slice3A_1302 = vector.extract_strided_slice %dot_general3A_12 {offsets = [776, 0], sizes = [8, 1024], strides = [1, 1]} : vector<1024x1024xf32> to vector<8x1024xf32>
      %mul3A_1303 = arith.constant 128 : i32
      %mul3A_1304 = arith.muli %arg0, %mul3A_1303 : i32
      %add3A_1305 = arith.constant 97 : i32
      %add3A_1306 = arith.addi %mul3A_1304, %add3A_1305 : i32
      %gt3A_1307 = arith.cmpf ogt, %slice3A_1302, %select_n3A_1295 : vector<8x1024xf32>
      %select_n3A_1308 = arith.select %gt3A_1307, %slice3A_1302, %select_n3A_1295 : vector<8x1024xi1>, vector<8x1024xf32>
      %broadcast_in_dim3A_1309 = vector.broadcast %add3A_1306 : i32 to vector<8x1024xi32>
      %select_n3A_1310 = arith.select %gt3A_1307, %broadcast_in_dim3A_1309, %select_n3A_1297 : vector<8x1024xi1>, vector<8x1024xi32>
      %lt3A_1311 = arith.cmpf olt, %slice3A_1302, %select_n3A_1299 : vector<8x1024xf32>
      %select_n3A_1312 = arith.select %lt3A_1311, %slice3A_1302, %select_n3A_1299 : vector<8x1024xi1>, vector<8x1024xf32>
      %broadcast_in_dim3A_1313 = vector.broadcast %add3A_1306 : i32 to vector<8x1024xi32>
      %select_n3A_1314 = arith.select %lt3A_1311, %broadcast_in_dim3A_1313, %select_n3A_1301 : vector<8x1024xi1>, vector<8x1024xi32>
      %slice3A_1315 = vector.extract_strided_slice %dot_general3A_12 {offsets = [784, 0], sizes = [8, 1024], strides = [1, 1]} : vector<1024x1024xf32> to vector<8x1024xf32>
      %mul3A_1316 = arith.constant 128 : i32
      %mul3A_1317 = arith.muli %arg0, %mul3A_1316 : i32
      %add3A_1318 = arith.constant 98 : i32
      %add3A_1319 = arith.addi %mul3A_1317, %add3A_1318 : i32
      %gt3A_1320 = arith.cmpf ogt, %slice3A_1315, %select_n3A_1308 : vector<8x1024xf32>
      %select_n3A_1321 = arith.select %gt3A_1320, %slice3A_1315, %select_n3A_1308 : vector<8x1024xi1>, vector<8x1024xf32>
      %broadcast_in_dim3A_1322 = vector.broadcast %add3A_1319 : i32 to vector<8x1024xi32>
      %select_n3A_1323 = arith.select %gt3A_1320, %broadcast_in_dim3A_1322, %select_n3A_1310 : vector<8x1024xi1>, vector<8x1024xi32>
      %lt3A_1324 = arith.cmpf olt, %slice3A_1315, %select_n3A_1312 : vector<8x1024xf32>
      %select_n3A_1325 = arith.select %lt3A_1324, %slice3A_1315, %select_n3A_1312 : vector<8x1024xi1>, vector<8x1024xf32>
      %broadcast_in_dim3A_1326 = vector.broadcast %add3A_1319 : i32 to vector<8x1024xi32>
      %select_n3A_1327 = arith.select %lt3A_1324, %broadcast_in_dim3A_1326, %select_n3A_1314 : vector<8x1024xi1>, vector<8x1024xi32>
      %slice3A_1328 = vector.extract_strided_slice %dot_general3A_12 {offsets = [792, 0], sizes = [8, 1024], strides = [1, 1]} : vector<1024x1024xf32> to vector<8x1024xf32>
      %mul3A_1329 = arith.constant 128 : i32
      %mul3A_1330 = arith.muli %arg0, %mul3A_1329 : i32
      %add3A_1331 = arith.constant 99 : i32
      %add3A_1332 = arith.addi %mul3A_1330, %add3A_1331 : i32
      %gt3A_1333 = arith.cmpf ogt, %slice3A_1328, %select_n3A_1321 : vector<8x1024xf32>
      %select_n3A_1334 = arith.select %gt3A_1333, %slice3A_1328, %select_n3A_1321 : vector<8x1024xi1>, vector<8x1024xf32>
      %broadcast_in_dim3A_1335 = vector.broadcast %add3A_1332 : i32 to vector<8x1024xi32>
      %select_n3A_1336 = arith.select %gt3A_1333, %broadcast_in_dim3A_1335, %select_n3A_1323 : vector<8x1024xi1>, vector<8x1024xi32>
      %lt3A_1337 = arith.cmpf olt, %slice3A_1328, %select_n3A_1325 : vector<8x1024xf32>
      %select_n3A_1338 = arith.select %lt3A_1337, %slice3A_1328, %select_n3A_1325 : vector<8x1024xi1>, vector<8x1024xf32>
      %broadcast_in_dim3A_1339 = vector.broadcast %add3A_1332 : i32 to vector<8x1024xi32>
      %select_n3A_1340 = arith.select %lt3A_1337, %broadcast_in_dim3A_1339, %select_n3A_1327 : vector<8x1024xi1>, vector<8x1024xi32>
      %slice3A_1341 = vector.extract_strided_slice %dot_general3A_12 {offsets = [800, 0], sizes = [8, 1024], strides = [1, 1]} : vector<1024x1024xf32> to vector<8x1024xf32>
      %mul3A_1342 = arith.constant 128 : i32
      %mul3A_1343 = arith.muli %arg0, %mul3A_1342 : i32
      %add3A_1344 = arith.constant 100 : i32
      %add3A_1345 = arith.addi %mul3A_1343, %add3A_1344 : i32
      %gt3A_1346 = arith.cmpf ogt, %slice3A_1341, %select_n3A_1334 : vector<8x1024xf32>
      %select_n3A_1347 = arith.select %gt3A_1346, %slice3A_1341, %select_n3A_1334 : vector<8x1024xi1>, vector<8x1024xf32>
      %broadcast_in_dim3A_1348 = vector.broadcast %add3A_1345 : i32 to vector<8x1024xi32>
      %select_n3A_1349 = arith.select %gt3A_1346, %broadcast_in_dim3A_1348, %select_n3A_1336 : vector<8x1024xi1>, vector<8x1024xi32>
      %lt3A_1350 = arith.cmpf olt, %slice3A_1341, %select_n3A_1338 : vector<8x1024xf32>
      %select_n3A_1351 = arith.select %lt3A_1350, %slice3A_1341, %select_n3A_1338 : vector<8x1024xi1>, vector<8x1024xf32>
      %broadcast_in_dim3A_1352 = vector.broadcast %add3A_1345 : i32 to vector<8x1024xi32>
      %select_n3A_1353 = arith.select %lt3A_1350, %broadcast_in_dim3A_1352, %select_n3A_1340 : vector<8x1024xi1>, vector<8x1024xi32>
      %slice3A_1354 = vector.extract_strided_slice %dot_general3A_12 {offsets = [808, 0], sizes = [8, 1024], strides = [1, 1]} : vector<1024x1024xf32> to vector<8x1024xf32>
      %mul3A_1355 = arith.constant 128 : i32
      %mul3A_1356 = arith.muli %arg0, %mul3A_1355 : i32
      %add3A_1357 = arith.constant 101 : i32
      %add3A_1358 = arith.addi %mul3A_1356, %add3A_1357 : i32
      %gt3A_1359 = arith.cmpf ogt, %slice3A_1354, %select_n3A_1347 : vector<8x1024xf32>
      %select_n3A_1360 = arith.select %gt3A_1359, %slice3A_1354, %select_n3A_1347 : vector<8x1024xi1>, vector<8x1024xf32>
      %broadcast_in_dim3A_1361 = vector.broadcast %add3A_1358 : i32 to vector<8x1024xi32>
      %select_n3A_1362 = arith.select %gt3A_1359, %broadcast_in_dim3A_1361, %select_n3A_1349 : vector<8x1024xi1>, vector<8x1024xi32>
      %lt3A_1363 = arith.cmpf olt, %slice3A_1354, %select_n3A_1351 : vector<8x1024xf32>
      %select_n3A_1364 = arith.select %lt3A_1363, %slice3A_1354, %select_n3A_1351 : vector<8x1024xi1>, vector<8x1024xf32>
      %broadcast_in_dim3A_1365 = vector.broadcast %add3A_1358 : i32 to vector<8x1024xi32>
      %select_n3A_1366 = arith.select %lt3A_1363, %broadcast_in_dim3A_1365, %select_n3A_1353 : vector<8x1024xi1>, vector<8x1024xi32>
      %slice3A_1367 = vector.extract_strided_slice %dot_general3A_12 {offsets = [816, 0], sizes = [8, 1024], strides = [1, 1]} : vector<1024x1024xf32> to vector<8x1024xf32>
      %mul3A_1368 = arith.constant 128 : i32
      %mul3A_1369 = arith.muli %arg0, %mul3A_1368 : i32
      %add3A_1370 = arith.constant 102 : i32
      %add3A_1371 = arith.addi %mul3A_1369, %add3A_1370 : i32
      %gt3A_1372 = arith.cmpf ogt, %slice3A_1367, %select_n3A_1360 : vector<8x1024xf32>
      %select_n3A_1373 = arith.select %gt3A_1372, %slice3A_1367, %select_n3A_1360 : vector<8x1024xi1>, vector<8x1024xf32>
      %broadcast_in_dim3A_1374 = vector.broadcast %add3A_1371 : i32 to vector<8x1024xi32>
      %select_n3A_1375 = arith.select %gt3A_1372, %broadcast_in_dim3A_1374, %select_n3A_1362 : vector<8x1024xi1>, vector<8x1024xi32>
      %lt3A_1376 = arith.cmpf olt, %slice3A_1367, %select_n3A_1364 : vector<8x1024xf32>
      %select_n3A_1377 = arith.select %lt3A_1376, %slice3A_1367, %select_n3A_1364 : vector<8x1024xi1>, vector<8x1024xf32>
      %broadcast_in_dim3A_1378 = vector.broadcast %add3A_1371 : i32 to vector<8x1024xi32>
      %select_n3A_1379 = arith.select %lt3A_1376, %broadcast_in_dim3A_1378, %select_n3A_1366 : vector<8x1024xi1>, vector<8x1024xi32>
      %slice3A_1380 = vector.extract_strided_slice %dot_general3A_12 {offsets = [824, 0], sizes = [8, 1024], strides = [1, 1]} : vector<1024x1024xf32> to vector<8x1024xf32>
      %mul3A_1381 = arith.constant 128 : i32
      %mul3A_1382 = arith.muli %arg0, %mul3A_1381 : i32
      %add3A_1383 = arith.constant 103 : i32
      %add3A_1384 = arith.addi %mul3A_1382, %add3A_1383 : i32
      %gt3A_1385 = arith.cmpf ogt, %slice3A_1380, %select_n3A_1373 : vector<8x1024xf32>
      %select_n3A_1386 = arith.select %gt3A_1385, %slice3A_1380, %select_n3A_1373 : vector<8x1024xi1>, vector<8x1024xf32>
      %broadcast_in_dim3A_1387 = vector.broadcast %add3A_1384 : i32 to vector<8x1024xi32>
      %select_n3A_1388 = arith.select %gt3A_1385, %broadcast_in_dim3A_1387, %select_n3A_1375 : vector<8x1024xi1>, vector<8x1024xi32>
      %lt3A_1389 = arith.cmpf olt, %slice3A_1380, %select_n3A_1377 : vector<8x1024xf32>
      %select_n3A_1390 = arith.select %lt3A_1389, %slice3A_1380, %select_n3A_1377 : vector<8x1024xi1>, vector<8x1024xf32>
      %broadcast_in_dim3A_1391 = vector.broadcast %add3A_1384 : i32 to vector<8x1024xi32>
      %select_n3A_1392 = arith.select %lt3A_1389, %broadcast_in_dim3A_1391, %select_n3A_1379 : vector<8x1024xi1>, vector<8x1024xi32>
      %slice3A_1393 = vector.extract_strided_slice %dot_general3A_12 {offsets = [832, 0], sizes = [8, 1024], strides = [1, 1]} : vector<1024x1024xf32> to vector<8x1024xf32>
      %mul3A_1394 = arith.constant 128 : i32
      %mul3A_1395 = arith.muli %arg0, %mul3A_1394 : i32
      %add3A_1396 = arith.constant 104 : i32
      %add3A_1397 = arith.addi %mul3A_1395, %add3A_1396 : i32
      %gt3A_1398 = arith.cmpf ogt, %slice3A_1393, %select_n3A_1386 : vector<8x1024xf32>
      %select_n3A_1399 = arith.select %gt3A_1398, %slice3A_1393, %select_n3A_1386 : vector<8x1024xi1>, vector<8x1024xf32>
      %broadcast_in_dim3A_1400 = vector.broadcast %add3A_1397 : i32 to vector<8x1024xi32>
      %select_n3A_1401 = arith.select %gt3A_1398, %broadcast_in_dim3A_1400, %select_n3A_1388 : vector<8x1024xi1>, vector<8x1024xi32>
      %lt3A_1402 = arith.cmpf olt, %slice3A_1393, %select_n3A_1390 : vector<8x1024xf32>
      %select_n3A_1403 = arith.select %lt3A_1402, %slice3A_1393, %select_n3A_1390 : vector<8x1024xi1>, vector<8x1024xf32>
      %broadcast_in_dim3A_1404 = vector.broadcast %add3A_1397 : i32 to vector<8x1024xi32>
      %select_n3A_1405 = arith.select %lt3A_1402, %broadcast_in_dim3A_1404, %select_n3A_1392 : vector<8x1024xi1>, vector<8x1024xi32>
      %slice3A_1406 = vector.extract_strided_slice %dot_general3A_12 {offsets = [840, 0], sizes = [8, 1024], strides = [1, 1]} : vector<1024x1024xf32> to vector<8x1024xf32>
      %mul3A_1407 = arith.constant 128 : i32
      %mul3A_1408 = arith.muli %arg0, %mul3A_1407 : i32
      %add3A_1409 = arith.constant 105 : i32
      %add3A_1410 = arith.addi %mul3A_1408, %add3A_1409 : i32
      %gt3A_1411 = arith.cmpf ogt, %slice3A_1406, %select_n3A_1399 : vector<8x1024xf32>
      %select_n3A_1412 = arith.select %gt3A_1411, %slice3A_1406, %select_n3A_1399 : vector<8x1024xi1>, vector<8x1024xf32>
      %broadcast_in_dim3A_1413 = vector.broadcast %add3A_1410 : i32 to vector<8x1024xi32>
      %select_n3A_1414 = arith.select %gt3A_1411, %broadcast_in_dim3A_1413, %select_n3A_1401 : vector<8x1024xi1>, vector<8x1024xi32>
      %lt3A_1415 = arith.cmpf olt, %slice3A_1406, %select_n3A_1403 : vector<8x1024xf32>
      %select_n3A_1416 = arith.select %lt3A_1415, %slice3A_1406, %select_n3A_1403 : vector<8x1024xi1>, vector<8x1024xf32>
      %broadcast_in_dim3A_1417 = vector.broadcast %add3A_1410 : i32 to vector<8x1024xi32>
      %select_n3A_1418 = arith.select %lt3A_1415, %broadcast_in_dim3A_1417, %select_n3A_1405 : vector<8x1024xi1>, vector<8x1024xi32>
      %slice3A_1419 = vector.extract_strided_slice %dot_general3A_12 {offsets = [848, 0], sizes = [8, 1024], strides = [1, 1]} : vector<1024x1024xf32> to vector<8x1024xf32>
      %mul3A_1420 = arith.constant 128 : i32
      %mul3A_1421 = arith.muli %arg0, %mul3A_1420 : i32
      %add3A_1422 = arith.constant 106 : i32
      %add3A_1423 = arith.addi %mul3A_1421, %add3A_1422 : i32
      %gt3A_1424 = arith.cmpf ogt, %slice3A_1419, %select_n3A_1412 : vector<8x1024xf32>
      %select_n3A_1425 = arith.select %gt3A_1424, %slice3A_1419, %select_n3A_1412 : vector<8x1024xi1>, vector<8x1024xf32>
      %broadcast_in_dim3A_1426 = vector.broadcast %add3A_1423 : i32 to vector<8x1024xi32>
      %select_n3A_1427 = arith.select %gt3A_1424, %broadcast_in_dim3A_1426, %select_n3A_1414 : vector<8x1024xi1>, vector<8x1024xi32>
      %lt3A_1428 = arith.cmpf olt, %slice3A_1419, %select_n3A_1416 : vector<8x1024xf32>
      %select_n3A_1429 = arith.select %lt3A_1428, %slice3A_1419, %select_n3A_1416 : vector<8x1024xi1>, vector<8x1024xf32>
      %broadcast_in_dim3A_1430 = vector.broadcast %add3A_1423 : i32 to vector<8x1024xi32>
      %select_n3A_1431 = arith.select %lt3A_1428, %broadcast_in_dim3A_1430, %select_n3A_1418 : vector<8x1024xi1>, vector<8x1024xi32>
      %slice3A_1432 = vector.extract_strided_slice %dot_general3A_12 {offsets = [856, 0], sizes = [8, 1024], strides = [1, 1]} : vector<1024x1024xf32> to vector<8x1024xf32>
      %mul3A_1433 = arith.constant 128 : i32
      %mul3A_1434 = arith.muli %arg0, %mul3A_1433 : i32
      %add3A_1435 = arith.constant 107 : i32
      %add3A_1436 = arith.addi %mul3A_1434, %add3A_1435 : i32
      %gt3A_1437 = arith.cmpf ogt, %slice3A_1432, %select_n3A_1425 : vector<8x1024xf32>
      %select_n3A_1438 = arith.select %gt3A_1437, %slice3A_1432, %select_n3A_1425 : vector<8x1024xi1>, vector<8x1024xf32>
      %broadcast_in_dim3A_1439 = vector.broadcast %add3A_1436 : i32 to vector<8x1024xi32>
      %select_n3A_1440 = arith.select %gt3A_1437, %broadcast_in_dim3A_1439, %select_n3A_1427 : vector<8x1024xi1>, vector<8x1024xi32>
      %lt3A_1441 = arith.cmpf olt, %slice3A_1432, %select_n3A_1429 : vector<8x1024xf32>
      %select_n3A_1442 = arith.select %lt3A_1441, %slice3A_1432, %select_n3A_1429 : vector<8x1024xi1>, vector<8x1024xf32>
      %broadcast_in_dim3A_1443 = vector.broadcast %add3A_1436 : i32 to vector<8x1024xi32>
      %select_n3A_1444 = arith.select %lt3A_1441, %broadcast_in_dim3A_1443, %select_n3A_1431 : vector<8x1024xi1>, vector<8x1024xi32>
      %slice3A_1445 = vector.extract_strided_slice %dot_general3A_12 {offsets = [864, 0], sizes = [8, 1024], strides = [1, 1]} : vector<1024x1024xf32> to vector<8x1024xf32>
      %mul3A_1446 = arith.constant 128 : i32
      %mul3A_1447 = arith.muli %arg0, %mul3A_1446 : i32
      %add3A_1448 = arith.constant 108 : i32
      %add3A_1449 = arith.addi %mul3A_1447, %add3A_1448 : i32
      %gt3A_1450 = arith.cmpf ogt, %slice3A_1445, %select_n3A_1438 : vector<8x1024xf32>
      %select_n3A_1451 = arith.select %gt3A_1450, %slice3A_1445, %select_n3A_1438 : vector<8x1024xi1>, vector<8x1024xf32>
      %broadcast_in_dim3A_1452 = vector.broadcast %add3A_1449 : i32 to vector<8x1024xi32>
      %select_n3A_1453 = arith.select %gt3A_1450, %broadcast_in_dim3A_1452, %select_n3A_1440 : vector<8x1024xi1>, vector<8x1024xi32>
      %lt3A_1454 = arith.cmpf olt, %slice3A_1445, %select_n3A_1442 : vector<8x1024xf32>
      %select_n3A_1455 = arith.select %lt3A_1454, %slice3A_1445, %select_n3A_1442 : vector<8x1024xi1>, vector<8x1024xf32>
      %broadcast_in_dim3A_1456 = vector.broadcast %add3A_1449 : i32 to vector<8x1024xi32>
      %select_n3A_1457 = arith.select %lt3A_1454, %broadcast_in_dim3A_1456, %select_n3A_1444 : vector<8x1024xi1>, vector<8x1024xi32>
      %slice3A_1458 = vector.extract_strided_slice %dot_general3A_12 {offsets = [872, 0], sizes = [8, 1024], strides = [1, 1]} : vector<1024x1024xf32> to vector<8x1024xf32>
      %mul3A_1459 = arith.constant 128 : i32
      %mul3A_1460 = arith.muli %arg0, %mul3A_1459 : i32
      %add3A_1461 = arith.constant 109 : i32
      %add3A_1462 = arith.addi %mul3A_1460, %add3A_1461 : i32
      %gt3A_1463 = arith.cmpf ogt, %slice3A_1458, %select_n3A_1451 : vector<8x1024xf32>
      %select_n3A_1464 = arith.select %gt3A_1463, %slice3A_1458, %select_n3A_1451 : vector<8x1024xi1>, vector<8x1024xf32>
      %broadcast_in_dim3A_1465 = vector.broadcast %add3A_1462 : i32 to vector<8x1024xi32>
      %select_n3A_1466 = arith.select %gt3A_1463, %broadcast_in_dim3A_1465, %select_n3A_1453 : vector<8x1024xi1>, vector<8x1024xi32>
      %lt3A_1467 = arith.cmpf olt, %slice3A_1458, %select_n3A_1455 : vector<8x1024xf32>
      %select_n3A_1468 = arith.select %lt3A_1467, %slice3A_1458, %select_n3A_1455 : vector<8x1024xi1>, vector<8x1024xf32>
      %broadcast_in_dim3A_1469 = vector.broadcast %add3A_1462 : i32 to vector<8x1024xi32>
      %select_n3A_1470 = arith.select %lt3A_1467, %broadcast_in_dim3A_1469, %select_n3A_1457 : vector<8x1024xi1>, vector<8x1024xi32>
      %slice3A_1471 = vector.extract_strided_slice %dot_general3A_12 {offsets = [880, 0], sizes = [8, 1024], strides = [1, 1]} : vector<1024x1024xf32> to vector<8x1024xf32>
      %mul3A_1472 = arith.constant 128 : i32
      %mul3A_1473 = arith.muli %arg0, %mul3A_1472 : i32
      %add3A_1474 = arith.constant 110 : i32
      %add3A_1475 = arith.addi %mul3A_1473, %add3A_1474 : i32
      %gt3A_1476 = arith.cmpf ogt, %slice3A_1471, %select_n3A_1464 : vector<8x1024xf32>
      %select_n3A_1477 = arith.select %gt3A_1476, %slice3A_1471, %select_n3A_1464 : vector<8x1024xi1>, vector<8x1024xf32>
      %broadcast_in_dim3A_1478 = vector.broadcast %add3A_1475 : i32 to vector<8x1024xi32>
      %select_n3A_1479 = arith.select %gt3A_1476, %broadcast_in_dim3A_1478, %select_n3A_1466 : vector<8x1024xi1>, vector<8x1024xi32>
      %lt3A_1480 = arith.cmpf olt, %slice3A_1471, %select_n3A_1468 : vector<8x1024xf32>
      %select_n3A_1481 = arith.select %lt3A_1480, %slice3A_1471, %select_n3A_1468 : vector<8x1024xi1>, vector<8x1024xf32>
      %broadcast_in_dim3A_1482 = vector.broadcast %add3A_1475 : i32 to vector<8x1024xi32>
      %select_n3A_1483 = arith.select %lt3A_1480, %broadcast_in_dim3A_1482, %select_n3A_1470 : vector<8x1024xi1>, vector<8x1024xi32>
      %slice3A_1484 = vector.extract_strided_slice %dot_general3A_12 {offsets = [888, 0], sizes = [8, 1024], strides = [1, 1]} : vector<1024x1024xf32> to vector<8x1024xf32>
      %mul3A_1485 = arith.constant 128 : i32
      %mul3A_1486 = arith.muli %arg0, %mul3A_1485 : i32
      %add3A_1487 = arith.constant 111 : i32
      %add3A_1488 = arith.addi %mul3A_1486, %add3A_1487 : i32
      %gt3A_1489 = arith.cmpf ogt, %slice3A_1484, %select_n3A_1477 : vector<8x1024xf32>
      %select_n3A_1490 = arith.select %gt3A_1489, %slice3A_1484, %select_n3A_1477 : vector<8x1024xi1>, vector<8x1024xf32>
      %broadcast_in_dim3A_1491 = vector.broadcast %add3A_1488 : i32 to vector<8x1024xi32>
      %select_n3A_1492 = arith.select %gt3A_1489, %broadcast_in_dim3A_1491, %select_n3A_1479 : vector<8x1024xi1>, vector<8x1024xi32>
      %lt3A_1493 = arith.cmpf olt, %slice3A_1484, %select_n3A_1481 : vector<8x1024xf32>
      %select_n3A_1494 = arith.select %lt3A_1493, %slice3A_1484, %select_n3A_1481 : vector<8x1024xi1>, vector<8x1024xf32>
      %broadcast_in_dim3A_1495 = vector.broadcast %add3A_1488 : i32 to vector<8x1024xi32>
      %select_n3A_1496 = arith.select %lt3A_1493, %broadcast_in_dim3A_1495, %select_n3A_1483 : vector<8x1024xi1>, vector<8x1024xi32>
      %slice3A_1497 = vector.extract_strided_slice %dot_general3A_12 {offsets = [896, 0], sizes = [8, 1024], strides = [1, 1]} : vector<1024x1024xf32> to vector<8x1024xf32>
      %mul3A_1498 = arith.constant 128 : i32
      %mul3A_1499 = arith.muli %arg0, %mul3A_1498 : i32
      %add3A_1500 = arith.constant 112 : i32
      %add3A_1501 = arith.addi %mul3A_1499, %add3A_1500 : i32
      %gt3A_1502 = arith.cmpf ogt, %slice3A_1497, %select_n3A_1490 : vector<8x1024xf32>
      %select_n3A_1503 = arith.select %gt3A_1502, %slice3A_1497, %select_n3A_1490 : vector<8x1024xi1>, vector<8x1024xf32>
      %broadcast_in_dim3A_1504 = vector.broadcast %add3A_1501 : i32 to vector<8x1024xi32>
      %select_n3A_1505 = arith.select %gt3A_1502, %broadcast_in_dim3A_1504, %select_n3A_1492 : vector<8x1024xi1>, vector<8x1024xi32>
      %lt3A_1506 = arith.cmpf olt, %slice3A_1497, %select_n3A_1494 : vector<8x1024xf32>
      %select_n3A_1507 = arith.select %lt3A_1506, %slice3A_1497, %select_n3A_1494 : vector<8x1024xi1>, vector<8x1024xf32>
      %broadcast_in_dim3A_1508 = vector.broadcast %add3A_1501 : i32 to vector<8x1024xi32>
      %select_n3A_1509 = arith.select %lt3A_1506, %broadcast_in_dim3A_1508, %select_n3A_1496 : vector<8x1024xi1>, vector<8x1024xi32>
      %slice3A_1510 = vector.extract_strided_slice %dot_general3A_12 {offsets = [904, 0], sizes = [8, 1024], strides = [1, 1]} : vector<1024x1024xf32> to vector<8x1024xf32>
      %mul3A_1511 = arith.constant 128 : i32
      %mul3A_1512 = arith.muli %arg0, %mul3A_1511 : i32
      %add3A_1513 = arith.constant 113 : i32
      %add3A_1514 = arith.addi %mul3A_1512, %add3A_1513 : i32
      %gt3A_1515 = arith.cmpf ogt, %slice3A_1510, %select_n3A_1503 : vector<8x1024xf32>
      %select_n3A_1516 = arith.select %gt3A_1515, %slice3A_1510, %select_n3A_1503 : vector<8x1024xi1>, vector<8x1024xf32>
      %broadcast_in_dim3A_1517 = vector.broadcast %add3A_1514 : i32 to vector<8x1024xi32>
      %select_n3A_1518 = arith.select %gt3A_1515, %broadcast_in_dim3A_1517, %select_n3A_1505 : vector<8x1024xi1>, vector<8x1024xi32>
      %lt3A_1519 = arith.cmpf olt, %slice3A_1510, %select_n3A_1507 : vector<8x1024xf32>
      %select_n3A_1520 = arith.select %lt3A_1519, %slice3A_1510, %select_n3A_1507 : vector<8x1024xi1>, vector<8x1024xf32>
      %broadcast_in_dim3A_1521 = vector.broadcast %add3A_1514 : i32 to vector<8x1024xi32>
      %select_n3A_1522 = arith.select %lt3A_1519, %broadcast_in_dim3A_1521, %select_n3A_1509 : vector<8x1024xi1>, vector<8x1024xi32>
      %slice3A_1523 = vector.extract_strided_slice %dot_general3A_12 {offsets = [912, 0], sizes = [8, 1024], strides = [1, 1]} : vector<1024x1024xf32> to vector<8x1024xf32>
      %mul3A_1524 = arith.constant 128 : i32
      %mul3A_1525 = arith.muli %arg0, %mul3A_1524 : i32
      %add3A_1526 = arith.constant 114 : i32
      %add3A_1527 = arith.addi %mul3A_1525, %add3A_1526 : i32
      %gt3A_1528 = arith.cmpf ogt, %slice3A_1523, %select_n3A_1516 : vector<8x1024xf32>
      %select_n3A_1529 = arith.select %gt3A_1528, %slice3A_1523, %select_n3A_1516 : vector<8x1024xi1>, vector<8x1024xf32>
      %broadcast_in_dim3A_1530 = vector.broadcast %add3A_1527 : i32 to vector<8x1024xi32>
      %select_n3A_1531 = arith.select %gt3A_1528, %broadcast_in_dim3A_1530, %select_n3A_1518 : vector<8x1024xi1>, vector<8x1024xi32>
      %lt3A_1532 = arith.cmpf olt, %slice3A_1523, %select_n3A_1520 : vector<8x1024xf32>
      %select_n3A_1533 = arith.select %lt3A_1532, %slice3A_1523, %select_n3A_1520 : vector<8x1024xi1>, vector<8x1024xf32>
      %broadcast_in_dim3A_1534 = vector.broadcast %add3A_1527 : i32 to vector<8x1024xi32>
      %select_n3A_1535 = arith.select %lt3A_1532, %broadcast_in_dim3A_1534, %select_n3A_1522 : vector<8x1024xi1>, vector<8x1024xi32>
      %slice3A_1536 = vector.extract_strided_slice %dot_general3A_12 {offsets = [920, 0], sizes = [8, 1024], strides = [1, 1]} : vector<1024x1024xf32> to vector<8x1024xf32>
      %mul3A_1537 = arith.constant 128 : i32
      %mul3A_1538 = arith.muli %arg0, %mul3A_1537 : i32
      %add3A_1539 = arith.constant 115 : i32
      %add3A_1540 = arith.addi %mul3A_1538, %add3A_1539 : i32
      %gt3A_1541 = arith.cmpf ogt, %slice3A_1536, %select_n3A_1529 : vector<8x1024xf32>
      %select_n3A_1542 = arith.select %gt3A_1541, %slice3A_1536, %select_n3A_1529 : vector<8x1024xi1>, vector<8x1024xf32>
      %broadcast_in_dim3A_1543 = vector.broadcast %add3A_1540 : i32 to vector<8x1024xi32>
      %select_n3A_1544 = arith.select %gt3A_1541, %broadcast_in_dim3A_1543, %select_n3A_1531 : vector<8x1024xi1>, vector<8x1024xi32>
      %lt3A_1545 = arith.cmpf olt, %slice3A_1536, %select_n3A_1533 : vector<8x1024xf32>
      %select_n3A_1546 = arith.select %lt3A_1545, %slice3A_1536, %select_n3A_1533 : vector<8x1024xi1>, vector<8x1024xf32>
      %broadcast_in_dim3A_1547 = vector.broadcast %add3A_1540 : i32 to vector<8x1024xi32>
      %select_n3A_1548 = arith.select %lt3A_1545, %broadcast_in_dim3A_1547, %select_n3A_1535 : vector<8x1024xi1>, vector<8x1024xi32>
      %slice3A_1549 = vector.extract_strided_slice %dot_general3A_12 {offsets = [928, 0], sizes = [8, 1024], strides = [1, 1]} : vector<1024x1024xf32> to vector<8x1024xf32>
      %mul3A_1550 = arith.constant 128 : i32
      %mul3A_1551 = arith.muli %arg0, %mul3A_1550 : i32
      %add3A_1552 = arith.constant 116 : i32
      %add3A_1553 = arith.addi %mul3A_1551, %add3A_1552 : i32
      %gt3A_1554 = arith.cmpf ogt, %slice3A_1549, %select_n3A_1542 : vector<8x1024xf32>
      %select_n3A_1555 = arith.select %gt3A_1554, %slice3A_1549, %select_n3A_1542 : vector<8x1024xi1>, vector<8x1024xf32>
      %broadcast_in_dim3A_1556 = vector.broadcast %add3A_1553 : i32 to vector<8x1024xi32>
      %select_n3A_1557 = arith.select %gt3A_1554, %broadcast_in_dim3A_1556, %select_n3A_1544 : vector<8x1024xi1>, vector<8x1024xi32>
      %lt3A_1558 = arith.cmpf olt, %slice3A_1549, %select_n3A_1546 : vector<8x1024xf32>
      %select_n3A_1559 = arith.select %lt3A_1558, %slice3A_1549, %select_n3A_1546 : vector<8x1024xi1>, vector<8x1024xf32>
      %broadcast_in_dim3A_1560 = vector.broadcast %add3A_1553 : i32 to vector<8x1024xi32>
      %select_n3A_1561 = arith.select %lt3A_1558, %broadcast_in_dim3A_1560, %select_n3A_1548 : vector<8x1024xi1>, vector<8x1024xi32>
      %slice3A_1562 = vector.extract_strided_slice %dot_general3A_12 {offsets = [936, 0], sizes = [8, 1024], strides = [1, 1]} : vector<1024x1024xf32> to vector<8x1024xf32>
      %mul3A_1563 = arith.constant 128 : i32
      %mul3A_1564 = arith.muli %arg0, %mul3A_1563 : i32
      %add3A_1565 = arith.constant 117 : i32
      %add3A_1566 = arith.addi %mul3A_1564, %add3A_1565 : i32
      %gt3A_1567 = arith.cmpf ogt, %slice3A_1562, %select_n3A_1555 : vector<8x1024xf32>
      %select_n3A_1568 = arith.select %gt3A_1567, %slice3A_1562, %select_n3A_1555 : vector<8x1024xi1>, vector<8x1024xf32>
      %broadcast_in_dim3A_1569 = vector.broadcast %add3A_1566 : i32 to vector<8x1024xi32>
      %select_n3A_1570 = arith.select %gt3A_1567, %broadcast_in_dim3A_1569, %select_n3A_1557 : vector<8x1024xi1>, vector<8x1024xi32>
      %lt3A_1571 = arith.cmpf olt, %slice3A_1562, %select_n3A_1559 : vector<8x1024xf32>
      %select_n3A_1572 = arith.select %lt3A_1571, %slice3A_1562, %select_n3A_1559 : vector<8x1024xi1>, vector<8x1024xf32>
      %broadcast_in_dim3A_1573 = vector.broadcast %add3A_1566 : i32 to vector<8x1024xi32>
      %select_n3A_1574 = arith.select %lt3A_1571, %broadcast_in_dim3A_1573, %select_n3A_1561 : vector<8x1024xi1>, vector<8x1024xi32>
      %slice3A_1575 = vector.extract_strided_slice %dot_general3A_12 {offsets = [944, 0], sizes = [8, 1024], strides = [1, 1]} : vector<1024x1024xf32> to vector<8x1024xf32>
      %mul3A_1576 = arith.constant 128 : i32
      %mul3A_1577 = arith.muli %arg0, %mul3A_1576 : i32
      %add3A_1578 = arith.constant 118 : i32
      %add3A_1579 = arith.addi %mul3A_1577, %add3A_1578 : i32
      %gt3A_1580 = arith.cmpf ogt, %slice3A_1575, %select_n3A_1568 : vector<8x1024xf32>
      %select_n3A_1581 = arith.select %gt3A_1580, %slice3A_1575, %select_n3A_1568 : vector<8x1024xi1>, vector<8x1024xf32>
      %broadcast_in_dim3A_1582 = vector.broadcast %add3A_1579 : i32 to vector<8x1024xi32>
      %select_n3A_1583 = arith.select %gt3A_1580, %broadcast_in_dim3A_1582, %select_n3A_1570 : vector<8x1024xi1>, vector<8x1024xi32>
      %lt3A_1584 = arith.cmpf olt, %slice3A_1575, %select_n3A_1572 : vector<8x1024xf32>
      %select_n3A_1585 = arith.select %lt3A_1584, %slice3A_1575, %select_n3A_1572 : vector<8x1024xi1>, vector<8x1024xf32>
      %broadcast_in_dim3A_1586 = vector.broadcast %add3A_1579 : i32 to vector<8x1024xi32>
      %select_n3A_1587 = arith.select %lt3A_1584, %broadcast_in_dim3A_1586, %select_n3A_1574 : vector<8x1024xi1>, vector<8x1024xi32>
      %slice3A_1588 = vector.extract_strided_slice %dot_general3A_12 {offsets = [952, 0], sizes = [8, 1024], strides = [1, 1]} : vector<1024x1024xf32> to vector<8x1024xf32>
      %mul3A_1589 = arith.constant 128 : i32
      %mul3A_1590 = arith.muli %arg0, %mul3A_1589 : i32
      %add3A_1591 = arith.constant 119 : i32
      %add3A_1592 = arith.addi %mul3A_1590, %add3A_1591 : i32
      %gt3A_1593 = arith.cmpf ogt, %slice3A_1588, %select_n3A_1581 : vector<8x1024xf32>
      %select_n3A_1594 = arith.select %gt3A_1593, %slice3A_1588, %select_n3A_1581 : vector<8x1024xi1>, vector<8x1024xf32>
      %broadcast_in_dim3A_1595 = vector.broadcast %add3A_1592 : i32 to vector<8x1024xi32>
      %select_n3A_1596 = arith.select %gt3A_1593, %broadcast_in_dim3A_1595, %select_n3A_1583 : vector<8x1024xi1>, vector<8x1024xi32>
      %lt3A_1597 = arith.cmpf olt, %slice3A_1588, %select_n3A_1585 : vector<8x1024xf32>
      %select_n3A_1598 = arith.select %lt3A_1597, %slice3A_1588, %select_n3A_1585 : vector<8x1024xi1>, vector<8x1024xf32>
      %broadcast_in_dim3A_1599 = vector.broadcast %add3A_1592 : i32 to vector<8x1024xi32>
      %select_n3A_1600 = arith.select %lt3A_1597, %broadcast_in_dim3A_1599, %select_n3A_1587 : vector<8x1024xi1>, vector<8x1024xi32>
      %slice3A_1601 = vector.extract_strided_slice %dot_general3A_12 {offsets = [960, 0], sizes = [8, 1024], strides = [1, 1]} : vector<1024x1024xf32> to vector<8x1024xf32>
      %mul3A_1602 = arith.constant 128 : i32
      %mul3A_1603 = arith.muli %arg0, %mul3A_1602 : i32
      %add3A_1604 = arith.constant 120 : i32
      %add3A_1605 = arith.addi %mul3A_1603, %add3A_1604 : i32
      %gt3A_1606 = arith.cmpf ogt, %slice3A_1601, %select_n3A_1594 : vector<8x1024xf32>
      %select_n3A_1607 = arith.select %gt3A_1606, %slice3A_1601, %select_n3A_1594 : vector<8x1024xi1>, vector<8x1024xf32>
      %broadcast_in_dim3A_1608 = vector.broadcast %add3A_1605 : i32 to vector<8x1024xi32>
      %select_n3A_1609 = arith.select %gt3A_1606, %broadcast_in_dim3A_1608, %select_n3A_1596 : vector<8x1024xi1>, vector<8x1024xi32>
      %lt3A_1610 = arith.cmpf olt, %slice3A_1601, %select_n3A_1598 : vector<8x1024xf32>
      %select_n3A_1611 = arith.select %lt3A_1610, %slice3A_1601, %select_n3A_1598 : vector<8x1024xi1>, vector<8x1024xf32>
      %broadcast_in_dim3A_1612 = vector.broadcast %add3A_1605 : i32 to vector<8x1024xi32>
      %select_n3A_1613 = arith.select %lt3A_1610, %broadcast_in_dim3A_1612, %select_n3A_1600 : vector<8x1024xi1>, vector<8x1024xi32>
      %slice3A_1614 = vector.extract_strided_slice %dot_general3A_12 {offsets = [968, 0], sizes = [8, 1024], strides = [1, 1]} : vector<1024x1024xf32> to vector<8x1024xf32>
      %mul3A_1615 = arith.constant 128 : i32
      %mul3A_1616 = arith.muli %arg0, %mul3A_1615 : i32
      %add3A_1617 = arith.constant 121 : i32
      %add3A_1618 = arith.addi %mul3A_1616, %add3A_1617 : i32
      %gt3A_1619 = arith.cmpf ogt, %slice3A_1614, %select_n3A_1607 : vector<8x1024xf32>
      %select_n3A_1620 = arith.select %gt3A_1619, %slice3A_1614, %select_n3A_1607 : vector<8x1024xi1>, vector<8x1024xf32>
      %broadcast_in_dim3A_1621 = vector.broadcast %add3A_1618 : i32 to vector<8x1024xi32>
      %select_n3A_1622 = arith.select %gt3A_1619, %broadcast_in_dim3A_1621, %select_n3A_1609 : vector<8x1024xi1>, vector<8x1024xi32>
      %lt3A_1623 = arith.cmpf olt, %slice3A_1614, %select_n3A_1611 : vector<8x1024xf32>
      %select_n3A_1624 = arith.select %lt3A_1623, %slice3A_1614, %select_n3A_1611 : vector<8x1024xi1>, vector<8x1024xf32>
      %broadcast_in_dim3A_1625 = vector.broadcast %add3A_1618 : i32 to vector<8x1024xi32>
      %select_n3A_1626 = arith.select %lt3A_1623, %broadcast_in_dim3A_1625, %select_n3A_1613 : vector<8x1024xi1>, vector<8x1024xi32>
      %slice3A_1627 = vector.extract_strided_slice %dot_general3A_12 {offsets = [976, 0], sizes = [8, 1024], strides = [1, 1]} : vector<1024x1024xf32> to vector<8x1024xf32>
      %mul3A_1628 = arith.constant 128 : i32
      %mul3A_1629 = arith.muli %arg0, %mul3A_1628 : i32
      %add3A_1630 = arith.constant 122 : i32
      %add3A_1631 = arith.addi %mul3A_1629, %add3A_1630 : i32
      %gt3A_1632 = arith.cmpf ogt, %slice3A_1627, %select_n3A_1620 : vector<8x1024xf32>
      %select_n3A_1633 = arith.select %gt3A_1632, %slice3A_1627, %select_n3A_1620 : vector<8x1024xi1>, vector<8x1024xf32>
      %broadcast_in_dim3A_1634 = vector.broadcast %add3A_1631 : i32 to vector<8x1024xi32>
      %select_n3A_1635 = arith.select %gt3A_1632, %broadcast_in_dim3A_1634, %select_n3A_1622 : vector<8x1024xi1>, vector<8x1024xi32>
      %lt3A_1636 = arith.cmpf olt, %slice3A_1627, %select_n3A_1624 : vector<8x1024xf32>
      %select_n3A_1637 = arith.select %lt3A_1636, %slice3A_1627, %select_n3A_1624 : vector<8x1024xi1>, vector<8x1024xf32>
      %broadcast_in_dim3A_1638 = vector.broadcast %add3A_1631 : i32 to vector<8x1024xi32>
      %select_n3A_1639 = arith.select %lt3A_1636, %broadcast_in_dim3A_1638, %select_n3A_1626 : vector<8x1024xi1>, vector<8x1024xi32>
      %slice3A_1640 = vector.extract_strided_slice %dot_general3A_12 {offsets = [984, 0], sizes = [8, 1024], strides = [1, 1]} : vector<1024x1024xf32> to vector<8x1024xf32>
      %mul3A_1641 = arith.constant 128 : i32
      %mul3A_1642 = arith.muli %arg0, %mul3A_1641 : i32
      %add3A_1643 = arith.constant 123 : i32
      %add3A_1644 = arith.addi %mul3A_1642, %add3A_1643 : i32
      %gt3A_1645 = arith.cmpf ogt, %slice3A_1640, %select_n3A_1633 : vector<8x1024xf32>
      %select_n3A_1646 = arith.select %gt3A_1645, %slice3A_1640, %select_n3A_1633 : vector<8x1024xi1>, vector<8x1024xf32>
      %broadcast_in_dim3A_1647 = vector.broadcast %add3A_1644 : i32 to vector<8x1024xi32>
      %select_n3A_1648 = arith.select %gt3A_1645, %broadcast_in_dim3A_1647, %select_n3A_1635 : vector<8x1024xi1>, vector<8x1024xi32>
      %lt3A_1649 = arith.cmpf olt, %slice3A_1640, %select_n3A_1637 : vector<8x1024xf32>
      %select_n3A_1650 = arith.select %lt3A_1649, %slice3A_1640, %select_n3A_1637 : vector<8x1024xi1>, vector<8x1024xf32>
      %broadcast_in_dim3A_1651 = vector.broadcast %add3A_1644 : i32 to vector<8x1024xi32>
      %select_n3A_1652 = arith.select %lt3A_1649, %broadcast_in_dim3A_1651, %select_n3A_1639 : vector<8x1024xi1>, vector<8x1024xi32>
      %slice3A_1653 = vector.extract_strided_slice %dot_general3A_12 {offsets = [992, 0], sizes = [8, 1024], strides = [1, 1]} : vector<1024x1024xf32> to vector<8x1024xf32>
      %mul3A_1654 = arith.constant 128 : i32
      %mul3A_1655 = arith.muli %arg0, %mul3A_1654 : i32
      %add3A_1656 = arith.constant 124 : i32
      %add3A_1657 = arith.addi %mul3A_1655, %add3A_1656 : i32
      %gt3A_1658 = arith.cmpf ogt, %slice3A_1653, %select_n3A_1646 : vector<8x1024xf32>
      %select_n3A_1659 = arith.select %gt3A_1658, %slice3A_1653, %select_n3A_1646 : vector<8x1024xi1>, vector<8x1024xf32>
      %broadcast_in_dim3A_1660 = vector.broadcast %add3A_1657 : i32 to vector<8x1024xi32>
      %select_n3A_1661 = arith.select %gt3A_1658, %broadcast_in_dim3A_1660, %select_n3A_1648 : vector<8x1024xi1>, vector<8x1024xi32>
      %lt3A_1662 = arith.cmpf olt, %slice3A_1653, %select_n3A_1650 : vector<8x1024xf32>
      %select_n3A_1663 = arith.select %lt3A_1662, %slice3A_1653, %select_n3A_1650 : vector<8x1024xi1>, vector<8x1024xf32>
      %broadcast_in_dim3A_1664 = vector.broadcast %add3A_1657 : i32 to vector<8x1024xi32>
      %select_n3A_1665 = arith.select %lt3A_1662, %broadcast_in_dim3A_1664, %select_n3A_1652 : vector<8x1024xi1>, vector<8x1024xi32>
      %slice3A_1666 = vector.extract_strided_slice %dot_general3A_12 {offsets = [1000, 0], sizes = [8, 1024], strides = [1, 1]} : vector<1024x1024xf32> to vector<8x1024xf32>
      %mul3A_1667 = arith.constant 128 : i32
      %mul3A_1668 = arith.muli %arg0, %mul3A_1667 : i32
      %add3A_1669 = arith.constant 125 : i32
      %add3A_1670 = arith.addi %mul3A_1668, %add3A_1669 : i32
      %gt3A_1671 = arith.cmpf ogt, %slice3A_1666, %select_n3A_1659 : vector<8x1024xf32>
      %select_n3A_1672 = arith.select %gt3A_1671, %slice3A_1666, %select_n3A_1659 : vector<8x1024xi1>, vector<8x1024xf32>
      %broadcast_in_dim3A_1673 = vector.broadcast %add3A_1670 : i32 to vector<8x1024xi32>
      %select_n3A_1674 = arith.select %gt3A_1671, %broadcast_in_dim3A_1673, %select_n3A_1661 : vector<8x1024xi1>, vector<8x1024xi32>
      %lt3A_1675 = arith.cmpf olt, %slice3A_1666, %select_n3A_1663 : vector<8x1024xf32>
      %select_n3A_1676 = arith.select %lt3A_1675, %slice3A_1666, %select_n3A_1663 : vector<8x1024xi1>, vector<8x1024xf32>
      %broadcast_in_dim3A_1677 = vector.broadcast %add3A_1670 : i32 to vector<8x1024xi32>
      %select_n3A_1678 = arith.select %lt3A_1675, %broadcast_in_dim3A_1677, %select_n3A_1665 : vector<8x1024xi1>, vector<8x1024xi32>
      %slice3A_1679 = vector.extract_strided_slice %dot_general3A_12 {offsets = [1008, 0], sizes = [8, 1024], strides = [1, 1]} : vector<1024x1024xf32> to vector<8x1024xf32>
      %mul3A_1680 = arith.constant 128 : i32
      %mul3A_1681 = arith.muli %arg0, %mul3A_1680 : i32
      %add3A_1682 = arith.constant 126 : i32
      %add3A_1683 = arith.addi %mul3A_1681, %add3A_1682 : i32
      %gt3A_1684 = arith.cmpf ogt, %slice3A_1679, %select_n3A_1672 : vector<8x1024xf32>
      %select_n3A_1685 = arith.select %gt3A_1684, %slice3A_1679, %select_n3A_1672 : vector<8x1024xi1>, vector<8x1024xf32>
      %broadcast_in_dim3A_1686 = vector.broadcast %add3A_1683 : i32 to vector<8x1024xi32>
      %select_n3A_1687 = arith.select %gt3A_1684, %broadcast_in_dim3A_1686, %select_n3A_1674 : vector<8x1024xi1>, vector<8x1024xi32>
      %lt3A_1688 = arith.cmpf olt, %slice3A_1679, %select_n3A_1676 : vector<8x1024xf32>
      %select_n3A_1689 = arith.select %lt3A_1688, %slice3A_1679, %select_n3A_1676 : vector<8x1024xi1>, vector<8x1024xf32>
      %broadcast_in_dim3A_1690 = vector.broadcast %add3A_1683 : i32 to vector<8x1024xi32>
      %select_n3A_1691 = arith.select %lt3A_1688, %broadcast_in_dim3A_1690, %select_n3A_1678 : vector<8x1024xi1>, vector<8x1024xi32>
      %slice3A_1692 = vector.extract_strided_slice %dot_general3A_12 {offsets = [1016, 0], sizes = [8, 1024], strides = [1, 1]} : vector<1024x1024xf32> to vector<8x1024xf32>
      %mul3A_1693 = arith.constant 128 : i32
      %mul3A_1694 = arith.muli %arg0, %mul3A_1693 : i32
      %add3A_1695 = arith.constant 127 : i32
      %add3A_1696 = arith.addi %mul3A_1694, %add3A_1695 : i32
      %gt3A_1697 = arith.cmpf ogt, %slice3A_1692, %select_n3A_1685 : vector<8x1024xf32>
      %select_n3A_1698 = arith.select %gt3A_1697, %slice3A_1692, %select_n3A_1685 : vector<8x1024xi1>, vector<8x1024xf32>
      %broadcast_in_dim3A_1699 = vector.broadcast %add3A_1696 : i32 to vector<8x1024xi32>
      %select_n3A_1700 = arith.select %gt3A_1697, %broadcast_in_dim3A_1699, %select_n3A_1687 : vector<8x1024xi1>, vector<8x1024xi32>
      %lt3A_1701 = arith.cmpf olt, %slice3A_1692, %select_n3A_1689 : vector<8x1024xf32>
      %select_n3A_1702 = arith.select %lt3A_1701, %slice3A_1692, %select_n3A_1689 : vector<8x1024xi1>, vector<8x1024xf32>
      %broadcast_in_dim3A_1703 = vector.broadcast %add3A_1696 : i32 to vector<8x1024xi32>
      %select_n3A_1704 = arith.select %lt3A_1701, %broadcast_in_dim3A_1703, %select_n3A_1691 : vector<8x1024xi1>, vector<8x1024xi32>
      scf.yield %select_n3A_1698, %select_n3A_1700, %select_n3A_1702, %select_n3A_1704 : vector<8x1024xf32>, vector<8x1024xi32>, vector<8x1024xf32>, vector<8x1024xi32>
    } else {
      scf.yield %select_n3A_947, %select_n3A_949, %select_n3A_951, %select_n3A_953 : vector<8x1024xf32>, vector<8x1024xi32>, vector<8x1024xf32>, vector<8x1024xi32>
    }
    %swap3A_960 = arith.constant 0 : index
    %swap3A_961 = arith.constant 0 : index
    %swap3A_962 = vector.load %arg7[%swap3A_960, %swap3A_961] : memref<8x1024xf32, #tpu.memory_space<vmem>>, vector<8x1024xf32>
    tpu.vector_store %arg7[%swap3A_960, %swap3A_961], %cond3A_959#0 {strides = array<i32>} : memref<8x1024xf32, #tpu.memory_space<vmem>>, vector<8x1024xf32>,
    %swap3A_963 = arith.constant 0 : index
    %swap3A_964 = arith.constant 0 : index
    %swap3A_965 = vector.load %arg8[%swap3A_963, %swap3A_964] : memref<8x1024xi32, #tpu.memory_space<vmem>>, vector<8x1024xi32>
    tpu.vector_store %arg8[%swap3A_963, %swap3A_964], %cond3A_959#1 {strides = array<i32>} : memref<8x1024xi32, #tpu.memory_space<vmem>>, vector<8x1024xi32>,
    %swap3A_966 = arith.constant 0 : index
    %swap3A_967 = arith.constant 0 : index
    %swap3A_968 = vector.load %arg9[%swap3A_966, %swap3A_967] : memref<8x1024xf32, #tpu.memory_space<vmem>>, vector<8x1024xf32>
    tpu.vector_store %arg9[%swap3A_966, %swap3A_967], %cond3A_959#2 {strides = array<i32>} : memref<8x1024xf32, #tpu.memory_space<vmem>>, vector<8x1024xf32>,
    %swap3A_969 = arith.constant 0 : index
    %swap3A_970 = arith.constant 0 : index
    %swap3A_971 = vector.load %arg10[%swap3A_969, %swap3A_970] : memref<8x1024xi32, #tpu.memory_space<vmem>>, vector<8x1024xi32>
    tpu.vector_store %arg10[%swap3A_969, %swap3A_970], %cond3A_959#3 {strides = array<i32>} : memref<8x1024xi32, #tpu.memory_space<vmem>>, vector<8x1024xi32>,
    %eq3A_972 = arith.constant 976 : i32
    %eq3A_973 = arith.cmpi eq, %arg0, %eq3A_972 : i32
    %convert_element_type3A_974 = arith.extui %eq3A_973 : i1 to i32
    %cond3A_975 = arith.constant 0 : i32
    %cond3A_976 = arith.cmpi ne, %convert_element_type3A_974, %cond3A_975 : i32
    scf.if %cond3A_976 {
      %iota3A = tpu.iota {dimensions = array<i32: 0>} : vector<8x1024xi32>
      %mul3A_977 = arith.constant 8 : i32
      %mul3A_978 = vector.broadcast %mul3A_977 : i32 to vector<8x1024xi32>
      %mul3A_979 = arith.muli %cond3A_959#1, %mul3A_978 : vector<8x1024xi32>
      %add3A_980 = arith.addi %mul3A_979, %iota3A : vector<8x1024xi32>
      %reduce_max3A = arith.constant dense<0xFF800000> : vector<1024xf32>
      %reduce_max3A_981 = vector.multi_reduction <maximumf>, %cond3A_959#0, %reduce_max3A [0] : vector<8x1024xf32> to vector<1024xf32>
      %broadcast_in_dim3A_982 = vector.shape_cast %reduce_max3A_981 : vector<1024xf32> to vector<1x1024xf32>
      %eq3A_983 = vector.broadcast %broadcast_in_dim3A_982 : vector<1x1024xf32> to vector<8x1024xf32>
      %eq3A_984 = arith.cmpf oeq, %cond3A_959#0, %eq3A_983 : vector<8x1024xf32>
      %jit3A = arith.constant 2147483647 : i32
      %broadcast_in_dim3A_985 = vector.broadcast %jit3A : i32 to vector<8x1024xi32>
      %select_n3A_986 = arith.select %eq3A_984, %add3A_980, %broadcast_in_dim3A_985 : vector<8x1024xi1>, vector<8x1024xi32>
      %reduce_min3A = arith.constant dense<2147483647> : vector<1024xi32>
      %reduce_min3A_987 = vector.multi_reduction <minsi>, %select_n3A_986, %reduce_min3A [0] : vector<8x1024xi32> to vector<1024xi32>
      %broadcast_in_dim3A_988 = vector.shape_cast %reduce_min3A_987 : vector<1024xi32> to vector<1x1024xi32>
      %swap3A_989 = arith.constant 0 : index
      %swap3A_990 = arith.constant 0 : index
      %swap3A_991 = vector.load %arg4[%swap3A_989, %swap3A_990] : memref<1x1024xi32, #tpu.memory_space<vmem>>, vector<1x1024xi32>
      tpu.vector_store %arg4[%swap3A_989, %swap3A_990], %broadcast_in_dim3A_988 {strides = array<i32>} : memref<1x1024xi32, #tpu.memory_space<vmem>>, vector<1x1024xi32>,
      %mul3A_992 = arith.constant 8 : i32
      %mul3A_993 = vector.broadcast %mul3A_992 : i32 to vector<8x1024xi32>
      %mul3A_994 = arith.muli %cond3A_959#3, %mul3A_993 : vector<8x1024xi32>
      %add3A_995 = arith.addi %mul3A_994, %iota3A : vector<8x1024xi32>
      %reduce_min3A_996 = arith.constant dense<0x7F800000> : vector<1024xf32>
      %reduce_min3A_997 = vector.multi_reduction <minimumf>, %cond3A_959#2, %reduce_min3A_996 [0] : vector<8x1024xf32> to vector<1024xf32>
      %broadcast_in_dim3A_998 = vector.shape_cast %reduce_min3A_997 : vector<1024xf32> to vector<1x1024xf32>
      %eq3A_999 = vector.broadcast %broadcast_in_dim3A_998 : vector<1x1024xf32> to vector<8x1024xf32>
      %eq3A_1000 = arith.cmpf oeq, %cond3A_959#2, %eq3A_999 : vector<8x1024xf32>
      %jit3A_1001 = arith.constant 2147483647 : i32
      %broadcast_in_dim3A_1002 = vector.broadcast %jit3A_1001 : i32 to vector<8x1024xi32>
      %select_n3A_1003 = arith.select %eq3A_1000, %add3A_995, %broadcast_in_dim3A_1002 : vector<8x1024xi1>, vector<8x1024xi32>
      %reduce_min3A_1004 = arith.constant dense<2147483647> : vector<1024xi32>
      %reduce_min3A_1005 = vector.multi_reduction <minsi>, %select_n3A_1003, %reduce_min3A_1004 [0] : vector<8x1024xi32> to vector<1024xi32>
      %broadcast_in_dim3A_1006 = vector.shape_cast %reduce_min3A_1005 : vector<1024xi32> to vector<1x1024xi32>
      %swap3A_1007 = arith.constant 0 : index
      %swap3A_1008 = arith.constant 0 : index
      %swap3A_1009 = vector.load %arg5[%swap3A_1007, %swap3A_1008] : memref<1x1024xi32, #tpu.memory_space<vmem>>, vector<1x1024xi32>
      tpu.vector_store %arg5[%swap3A_1007, %swap3A_1008], %broadcast_in_dim3A_1006 {strides = array<i32>} : memref<1x1024xi32, #tpu.memory_space<vmem>>, vector<1x1024xi32>,
    } else {
    }
    return
  }
  func.func @transform_0(%arg0: i32) -> (i32, i32) {
    %c0_i32 = arith.constant 0 : i32
    %c0_i32_0 = arith.constant 0 : i32
    %c0_i32_1 = arith.constant 0 : i32
    return %c0_i32, %c0_i32_0 : i32, i32
  }
  func.func @transform_1(%arg0: i32) -> (i32, i32) {
    %c0_i32 = arith.constant 0 : i32
    %c0_i32_0 = arith.constant 0 : i32
    return %c0_i32, %arg0 : i32, i32
  }
  func.func @transform_2(%arg0: i32) -> (i32, i32) {
    %c0_i32 = arith.constant 0 : i32
    %c0_i32_0 = arith.constant 0 : i32
    return %c0_i32, %arg0 : i32, i32
  }
  func.func @transform_3(%arg0: i32) -> (i32, i32) {
    %c0_i32 = arith.constant 0 : i32
    %c0_i32_0 = arith.constant 0 : i32
    %c0_i32_1 = arith.constant 0 : i32
    return %c0_i32, %c0_i32_0 : i32, i32
  }
  func.func @transform_4(%arg0: i32) -> (i32, i32) {
    %c0_i32 = arith.constant 0 : i32
    %c0_i32_0 = arith.constant 0 : i32
    %c0_i32_1 = arith.constant 0 : i32
    return %c0_i32, %c0_i32_0 : i32, i32
  }
  func.func @transform_5(%arg0: i32) -> (i32, i32) {
    %c0_i32 = arith.constant 0 : i32
    %c0_i32_0 = arith.constant 0 : i32
    return %arg0, %c0_i32 : i32, i32
  }
}

</mosaic_0001>

<sc_bundles>
// kernel: kernel.4.cloned.1.call-start
scs
__scs_entry_jumppad:
0x0: {  	(pc) =	sbr.rel $0x88, $3  }
0x1: {  	(tag) =	ssettag $0x0;
	lr =	simm.s32 $0x1  }
0x2: {  	[smem:$0x3F9E] =	sst lr;
	_ =	strace $0xD0000000  }
0x3: {  	_ = 	snop  }
0x4: {  	_ = 	snop  }
0x5: {  	_ = 	snop  }
0x6: {  	_ = 	snop  }
0x7: {  	_ = 	snop  }
__scs_overlays_trampoline_lowered:
0x8: {  	[smem:$0x3FAD] =	sst s0  }
0x9: {  	[smem:$0x3FAE] =	sst s1  }
0xa: {  	[smem:$0x3FAF] =	sst s2  }
0xb: {  	[smem:$0x3FB0] =	sst s3  }
0xc: {  	[smem:$0x3FB1] =	sst s4  }
0xd: {  	[smem:$0x3FB2] =	sst s5  }
0xe: {  	[smem:$0x3FB3] =	sst s6  }
0xf: {  	[smem:$0x3FB4] =	sst s7  }
0x10: {  	[smem:$0x3FB5] =	sst s8  }
0x11: {  	[smem:$0x3FB6] =	sst s9;
	s0 =	simm.s32 @!p0 $0x0  }
0x12: {  	s1 =	sld [smem:$0x3F9C];
	s0 =	simm.s32 @p0 $0x1  }
0x13: {  	[smem:$0x3FB7] =	sst s0;
	s0 =	simm.s32 @!p1 $0x0  }
0x14: {  	s2 =	sld [smem:$0x3F9B];
	s0 =	simm.s32 @p1 $0x1  }
0x15: {  	[smem:$0x3FB8] =	sst s0;
	s0 =	simm.s32 @!p2 $0x0  }
0x16: {  	s3 =	sld [smem:$0x3FDB];
	s0 =	simm.s32 @p2 $0x1  }
0x17: {  	s4 =	simm.s32 $0x1BF5;
	[smem:$0x3FBA] =	sst s0  }
0x18: {  	s0 =	sld [smem:$0x3F9D];
	_ =	swait.ge [sflag:s4], $0x0  }
0x19: {  	s7 =	sld [smem:$0x3F9E]  }
0x1a: {  	s8 =	sadd.s32 $0xFFFFE003, lr  }
0x1b: {  	s9 =	sadd.s32 $0xFFFFFEF7, lr;
	s5 =	simm.s32 $0xFFFFFFFF;
	p2 =	slt.u32 s8, $0xFFFFF086  }
0x1c: {  	p1 =	slt.u32 s9, $0xF7A;
	s5 =	simm.s32 @!p2 $0x0  }
0x1d: {  	s5 =	simm.s32 @p1 $0x1;
	p0 =	seq.s32 s7, s2  }
0x1e: {  	s7 =	smul.u32 @!p0 $0xF7A, s2;
	p2 =	seq.s32 @!p0 s5, $0x0  }
0x1f: {  	s9 =	smul.u32 $0xF7A, s1;
	s8 =	simm.s32 @!p0 $0x1BF5;
	p2 =	por !p2, p0  }
0x20: {  	[sflag:s8] =	ssyncset.s32 @!p0 $0xFFFFF086;
	s6 =	sadd.s32 @!p0 s3, s7;
	s7 =	simm.s32 @!p0 $0x108  }
0x21: {  	s3 =	sadd.s32 s3, s9;
	s6 =	sadd.s32 @!p0 $0x88, s6;
	s7 =	simm.s32 @p2 $0x1082  }
0x22: {  	[simem:s7], [sflag:s8] =	dma.local @!p0 [hbm:s6], $0xF7A  }
0x23: {  	s9 =	sor.u32 $0xD0000000, s2;
	s6 =	simm.s32 $0x108;
	_ =	swait.ge @!p0 [sflag:s8], $0x0  }
0x24: {  	s3 =	sadd.s32 $0x88, s3;
	s6 =	simm.s32 @!p1 $0x1082;
	[sflag:s4] =	ssyncset.s32 $0xFFFFF086  }
0x25: {  	[simem:s6], [sflag:s4] =	dma.local [hbm:s3], $0xF7A  }
0x26: {  	[smem:$0x3F9E] =	sst s1;
	(tag) =	ssettag s2;
	_ =	strace s9  }
0x27: {  	s1 =	sld [smem:$0x3FAE]  }
0x28: {  	s2 =	sld [smem:$0x3FAF]  }
0x29: {  	s4 =	sld [smem:$0x3FB1]  }
0x2a: {  	p0 =	seq.s32 s5, $0x0;
	s5 =	sld [smem:$0x3FB2]  }
0x2b: {  	s6 =	sld [smem:$0x3FB3]  }
0x2c: {  	s7 =	sld [smem:$0x3FB4]  }
0x2d: {  	s3 =	simm.s32 $0x108;
	s8 =	sld [smem:$0x3FB5]  }
0x2e: {  	s3 =	simm.s32 @!p0 $0x1082;
	s9 =	sld [smem:$0x3FB6]  }
0x2f: {  	lr =	sadd.s32 s0, s3;
	s0 =	sld [smem:$0x3FAD]  }
0x30: {  	s3 =	sld [smem:$0x3FB0]  }
0x31: {  	[smem:$0x3FB9] =	sst s10  }
0x32: {  	s10 =	sld [smem:$0x3FB7];
	_ =	sdelay $0x3  }
0x33: {  	p0 =	seq.s32 s10, $0x1;
	s10 =	sld [smem:$0x3FB9];
	_ =	sdelay $0x3  }
0x34: {  	[smem:$0x3FB9] =	sst s10  }
0x35: {  	s10 =	sld [smem:$0x3FB8];
	_ =	sdelay $0x3  }
0x36: {  	p1 =	seq.s32 s10, $0x1;
	s10 =	sld [smem:$0x3FB9];
	_ =	sdelay $0x3  }
0x37: {  	[smem:$0x3FB9] =	sst s10  }
0x38: {  	s10 =	sld [smem:$0x3FBA]  }
0x39: {  	_ = 	snop;
	(pc) =	sbr.ind lr, $3  }
0x3a: {  	_ = 	snop  }
0x3b: {  	_ = 	snop  }
0x3c: {  	p2 =	seq.s32 s10, $0x1;
	s10 =	sld [smem:$0x3FB9]  }
0x3d: {  	_ =	shalt  }
0x3e: {  	_ =	shalt  }
0x3f: {  	_ =	shalt  }
0x40: {  	_ =	shalt  }
0x41: {  	_ =	shalt  }
0x42: {  	_ =	shalt  }
0x43: {  	_ =	shalt  }
0x44: {  	_ =	shalt  }
0x45: {  	_ =	shalt  }
0x46: {  	_ =	shalt  }
0x47: {  	_ =	shalt  }
0x48: {  	_ =	shalt  }
0x49: {  	_ =	shalt  }
0x4a: {  	_ =	shalt  }
0x4b: {  	_ =	shalt  }
0x4c: {  	_ =	shalt  }
0x4d: {  	_ =	shalt  }
0x4e: {  	_ =	shalt  }
0x4f: {  	_ =	shalt  }
0x50: {  	_ =	shalt  }
0x51: {  	_ =	shalt  }
0x52: {  	_ =	shalt  }
0x53: {  	_ =	shalt  }
0x54: {  	_ =	shalt  }
0x55: {  	_ =	shalt  }
0x56: {  	_ =	shalt  }
0x57: {  	_ =	shalt  }
0x58: {  	_ =	shalt  }
0x59: {  	_ =	shalt  }
0x5a: {  	_ =	shalt  }
0x5b: {  	_ =	shalt  }
0x5c: {  	_ =	shalt  }
0x5d: {  	_ =	shalt  }
0x5e: {  	_ =	shalt  }
0x5f: {  	_ =	shalt  }
0x60: {  	_ =	shalt  }
0x61: {  	_ =	shalt  }
0x62: {  	_ =	shalt  }
0x63: {  	_ =	shalt  }
0x64: {  	_ =	shalt  }
0x65: {  	_ =	shalt  }
0x66: {  	_ =	shalt  }
0x67: {  	_ =	shalt  }
0x68: {  	_ =	shalt  }
0x69: {  	_ =	shalt  }
0x6a: {  	_ =	shalt  }
0x6b: {  	_ =	shalt  }
0x6c: {  	_ =	shalt  }
0x6d: {  	_ =	shalt  }
0x6e: {  	_ =	shalt  }
0x6f: {  	_ =	shalt  }
0x70: {  	_ =	shalt  }
0x71: {  	_ =	shalt  }
0x72: {  	_ =	shalt  }
0x73: {  	_ =	shalt  }
0x74: {  	_ =	shalt  }
0x75: {  	_ =	shalt  }
0x76: {  	_ =	shalt  }
0x77: {  	_ =	shalt  }
0x78: {  	_ =	shalt  }
0x79: {  	_ =	shalt  }
0x7a: {  	_ =	shalt  }
0x7b: {  	_ =	shalt  }
0x7c: {  	_ =	shalt  }
0x7d: {  	_ =	shalt  }
0x7e: {  	_ =	shalt  }
0x7f: {  	_ =	shalt  }
0x80: {  	_ =	shalt  }
0x81: {  	_ =	shalt  }
0x82: {  	_ =	shalt  }
0x83: {  	_ =	shalt  }
0x84: {  	_ =	shalt  }
0x85: {  	_ =	shalt  }
0x86: {  	_ =	shalt  }
0x87: {  	_ =	shalt  }
.Lfunc_end0:
.L_simem_size_0:
called_computation_lowered:
.L_overlay_start_0:
0x88: {  	s2 =	sld [smem:$0x3FD9]  }
0x89: {  	s3 =	sld [smem:$0x3FFE];
	_ =	sdelay $0x1  }
0x8a: {  	s1 =	srdreg.scid  }
0x8b: {  	s0 =	sand.u32 $0x1, s1  }
0x8c: {  	s14 =	sshll.u32 s0, $0xA;
	s2 =	sadd.s32 s3, s2  }
0x8d: {  	s2 =	sadd.s32 s2, s14  }
0x8e: {  	[smem:$0x3FC5] =	sst s2  }
0x8f: {  	_ = 	snop  }
0x90: {  	s2 =	sld [smem:$0x3FD0];
	_ =	sdelay $0x2  }
0x91: {  	s15 =	simm.s32 $0xA;
	s4 =	simm.s32 $0x10  }
0x92: {  	[smem:s4], [sflag:s15] =	dma.local [hbm:s2], $0x1  }
0x93: {  	_ =	swait.eq [sflag:s15], $0x1  }
0x94: {  	[sflag:s15] =	ssyncset.done $0x0  }
0x95: {  	[sflag:s15] =	ssyncadd.s32 $0xFFFFFFFF  }
0x96: {  	s16 =	sld [smem:$0x11];
	(tm) =	ssettm $0x1  }
0x97: {  	s17 =	sld [smem:$0x3FFB];
	_ =	sdelay $0x3  }
0x98: {  	_ =	strace s17  }
0x99: {  	s3 =	sld [smem:$0x3FFC];
	_ =	sdelay $0x3  }
0x9a: {  	_ =	strace s3  }
0x9b: {  	s3 =	sld [smem:$0x3FFD];
	_ =	sdelay $0x3  }
0x9c: {  	_ =	strace s3  }
0x9d: {  	_ =	strace $0x8FFFFFFF  }
0x9e: {  	s18 =	sld [smem:$0x3FDB];
	_ =	sdelay $0x1  }
0x9f: {  	s19 =	simm.s32 $_scs_section_size  }
0xa0: {  	s5 =	simm.s32 $_size__tile_overlayer_lowered;
	s6 =	simm.s32 $_tile_overlayer_lowered  }
0xa1: {  	s22 =	simm.s32 $0x1BFF;
	s21 =	sshll.u32 s6, $0x1;
	s3 =	sadd.s32 s19, s18  }
0xa2: {  	s7 =	simm.s32 $0x0;
	s20 =	sshll.u32 s5, $0x1;
	s5 =	sadd.s32 s21, s3  }
0xa3: {  	[timem:s7], [sflag:s22] =	dma.local [hbm:s5], s20  }
0xa4: {  	_ =	swait.ge [sflag:s22], s20  }
0xa5: {  	s4 =	ssub.s32 $0x0, s20;
	[sflag:s22] =	ssyncset.done $0x0  }
0xa6: {  	[sflag:s22] =	ssyncadd.s32 s4;
	_ =	sdelay $0x1  }
0xa7: {  	s23 =	simm.s32 $0x1B8B  }
0xa8: {  	_ =	swait.ge [sflag:s23], $0x1  }
0xa9: {  	[sflag:s23] =	ssyncset.done $0x0  }
0xaa: {  	s25 =	simm.s32 $0x1B8E;
	s24 =	sld [smem:$0x3FFE];
	[sflag:s23] =	ssyncadd.s32 $0xFFFFFFFF  }
0xab: {  	s26 =	simm.s32 $execute0_lowered;
	[smem:$0x3FD2] =	sst s25  }
0xac: {  	s5 =	sshll.u32 s26, $0x1;
	_ =	strace $0x80000046;
	[dreg:$0x1] =	wrdreg $0xFFFFFFFF  }
0xad: {  	s28 =	simm.s32 $_size_execute0_lowered;
	s3 =	sadd.s32 s3, s5;
	[dreg:$0x0] =	wrdreg $0x0  }
0xae: {  	s5 =	sshll.u32 s28, $0x1;
	[dreg:$0x2] =	wrdreg s3  }
0xaf: {  	[dreg:$0x3] =	wrdreg s5  }
0xb0: {  	[dreg:$0x4] =	wrdreg $0xC0  }
0xb1: {  	_ =	task [dreg:s7], $0x5FFFF  }
0xb2: {  	[dreg:$0x1] =	wrdreg $0xFFFFFFFF  }
0xb3: {  	[dreg:$0x0] =	wrdreg $0x60  }
0xb4: {  	[dreg:$0x2] =	wrdreg s24  }
0xb5: {  	[dreg:$0x3] =	wrdreg s16  }
0xb6: {  	[dreg:$0x4] =	wrdreg $0x9  }
0xb7: {  	_ =	task.clear_ibuf [dreg:s7], $0x5FFFF;
	_ =	strace $0x90000046  }
0xb8: {  	s29 =	simm.s32 $0x9;
	_ =	strace $0x80000048  }
0xb9: {  	_ =	swait.ge [sflag:s29], $0x1  }
0xba: {  	[sflag:s29] =	ssyncadd.s32 $0xFFFFFFFF  }
0xbb: {  	_ =	strace $0x90000048  }
0xbc: {  	_ =	sfence  }
0xbd: {  	s30 =	sld [smem:$0x0];
	_ =	sdelay $0x2  }
0xbe: {  	s31 =	sshll.u32 s1, $0xD;
	s1 =	sshrl.u32 s1, $0x2  }
0xbf: {  	s3 =	sand.u32 $0x4000, s31;
	s1 =	sadd.s32 s1, s30  }
0xc0: {  	s0 =	sor.u32 s3, s0;
	s1 =	sshll.u32 s1, $0x11  }
0xc1: {  	s0 =	sor.u32 s1, s0  }
0xc2: {  	s0 =	sadd.s32 $0x8F2B, s0  }
0xc3: {  	[sflag:s0] =	ssyncadd.remote.s32 $0x1  }
0xc4: {  	_ =	sfence.sel $0xFFFF  }
0xc5: {  	[dreg:$0x0] =	wrdreg $0xFFFFFFFF;
	(pc) =	sbr.abs _section_cstart, $3  }
0xc6: {  	[dreg:$0x1] =	wrdreg $0xFFFFFFFF  }
0xc7: {  	_ =	task.clear_ibuf [dreg:s7], $0x2FFFF;
	_ =	strace $0x9FFFFFFF  }
0xc8: {  	(tm) =	ssettm $0x7FFFFFFF  }
0xc9: {  	_ =	shalt  }
tec
execute0_lowered:
.L_overlay_start_1:
0x0: {  	(tag) =	ssettag $0x1  }
0x1: {  	s1 =	srdreg.scid;
	s9 =	rddreg [dreg:$0x0]  }
0x2: {  	s0 =	stileid.u32;
	s3 =	rddreg [dreg:$0x1]  }
0x3: {  	s2 =	simm.s32 $0x0;
	s7 =	simm.s32 $0x80;
	s6 =	sand.u32 $0x1, s1  }
0x4: {  	s4 =	sshll.u32 s0, $0x7;
	s1 =	rddreg [dreg:$0x2];
	s5 =	sshll.u32 s6, $0x6  }
0x5: {  	s8 =	simm.s32 $0x1;
	[smem:$0x7FF] =	sst s2;
	s10 =	sor.u32 s5, s4  }
0x6: {  	_ =	strace $0x80000047;
	s11 =	ssub.s32 $0x2, s6;
	s4 =	sshrl.u32 s10, $0x3  }
0x7: {  	s6 =	simm.s32 $0x40;
	s4 =	sadd.s32 s3, s4;
	s3 =	simm.s32 $0x2  }
0x8: {  	[tilespmem:s2], [sflag:$0x2] =	stream.linear.gather [hbm4b:s4+s2], $0x40, $0x38;
	[tilespmem:$0x2080] =	vst v63  }
0x9: {  	s5 =	sadd.s32 $0xA00, s9;
	s12 =	sshrl.u32 s11, $0x1;
	_ =	swait.ge [sflag:s3], $0x40  }
0xa: {  	s10 =	sshll.u32 s10, $0x4;
	s31 =	ssub.s32 s11, s12;
	[sflag:s3] =	ssyncset.done $0x0  }
0xb: {  	s9 =	sadd.s32 s10, s9;
	s10 =	smax.u32 s31, $0x1;
	[sflag:s3] =	ssyncadd.s32 $0xFFFFFFC0  }
0xc: {  	[tilespmem:s7], [sflag:$0x1] =	stream.indirect.gather [hbm4b:s5+s6], $0x80, s2, s6, $0xb8;
	[tilespmem:$0x2080] =	vst v63  }
0xd: {  	p0 =	sne.s32 s10, $0x1;
	_ =	swait.ge [sflag:s8], $0x2000  }
.Ltmp0:
0xe: {  	[sflag:s8] =	ssyncset.done $0x0;
	(pc) =	sbr.rel @!p0 .LBB2_2-.Ltmp0, $4  }
0xf: {  	s9 =	sadd.s32 $0xF42E00, s9;
	[sflag:s8] =	ssyncadd.s32 $0xFFFFE000  }
0x10: {  	[hbm4b:s9+s2] =	stream.linear.scatter [tilespmem:s7], [sflag:$0x2], $0x2000, $0x38;
	[tilespmem:$0x2080] =	vst v63  }
0x11: {  	_ =	swait.ge [sflag:s3], $0x2000  }
0x12: {  	s10 =	sadd.s32 $0xFFFFFFFF, s10;
	[sflag:s3] =	ssyncset.done $0x0  }
.LBB2_1:
0x13: {  	p0 =	sne.s32 s10, $0x1;
	s10 =	sadd.s32 $0xFFFFFFFF, s10;
	[sflag:s3] =	ssyncadd.s32 $0xFFFFE000  }
0x14: {  	[tilespmem:s2], [sflag:$0x2] =	stream.linear.gather [hbm4b:s4+s2], $0x40, $0x38;
	[tilespmem:$0x2080] =	vst v63  }
0x15: {  	_ =	swait.ge [sflag:s3], $0x40  }
0x16: {  	[sflag:s3] =	ssyncset.done $0x0  }
0x17: {  	[sflag:s3] =	ssyncadd.s32 $0xFFFFFFC0  }
0x18: {  	[tilespmem:s7], [sflag:$0x1] =	stream.indirect.gather [hbm4b:s5+s6], $0x80, s2, s6, $0xb8;
	[tilespmem:$0x2080] =	vst v63  }
0x19: {  	_ =	swait.ge [sflag:s8], $0x2000  }
.Ltmp1:
0x1a: {  	[sflag:s8] =	ssyncset.done $0x0;
	(pc) =	sbr.rel @p0 .LBB2_1-.Ltmp1, $4  }
0x1b: {  	[sflag:s8] =	ssyncadd.s32 $0xFFFFE000  }
0x1c: {  	[hbm4b:s9+s2] =	stream.linear.scatter [tilespmem:s7], [sflag:$0x2], $0x2000, $0x38;
	[tilespmem:$0x2080] =	vst v63  }
0x1d: {  	_ =	swait.ge [sflag:s3], $0x2000  }
0x1e: {  	[sflag:s3] =	ssyncset.done $0x0  }
.LBB2_2:
0x1f: {  	[sflag:s3] =	ssyncadd.s32 $0xFFFFE000  }
0x20: {  	_ =	sfence.sel $0x180000  }
0x21: {  	[bflag:$0x0] =	sbarrier.arrive $0xFFFF  }
0x22: {  	p0 =	sne.s32 s0, $0x0;
	_ =	strace $0x90000047  }
0x23: {  	s0 =	sadd.s32 @!p0 $0x100000, s1;
	[bflag:$0x2] =	sbarrier.arrive $0xFFFF  }
0x24: {  	[sflag:s0] =	ssyncadd.tile.s32 @!p0 $0x1;
	_ =	shalt  }
.Lfunc_end2:
_tile_overlayer_lowered:
.L_overlay_start_2:
0x25: {  	(tag) =	ssettag $0x2  }
0x26: {  	s0 =	rddreg [dreg:$0x0];
	s2 =	stileid.u32  }
0x27: {  	s1 =	rddreg [dreg:$0x1];
	p0 =	sne.s32 s2, $0x0  }
0x28: {  	s3 =	rddreg [dreg:$0x2];
	[bflag:$0x3] =	sbarrier.arrive $0xFFFF;
	s2 =	simm.s32 @!p0 $0x1C02  }
0x29: {  	[timem:s3], [sflag:s2] =	dma.local @!p0 [hbm:s0], s1  }
0x2a: {  	s0 =	simm.s32 @!p0 $0x2  }
0x2b: {  	_ =	swait.ge @!p0 [sflag:s0], s1  }
0x2c: {  	s1 =	ssub.s32 @!p0 $0x0, s1;
	[sflag:s0] =	ssyncset.done @!p0 $0x0  }
0x2d: {  	[sflag:s0] =	ssyncadd.s32 @!p0 s1  }
0x2e: {  	[bflag:$0x3] =	sbarrier.arrive $0xFFFF  }
0x2f: {  	_ =	shalt  }

</sc_bundles>
